<compile_context>
chip_gen: v7x
topology: tpu7x:2x2x1
jax: 0.10.2.dev20260603
libtpu: 0.0.44.dev20260713+nightly
codegen_flags: <defaults>
</compile_context>

<pallas_src>
import functools

import jax
import jax.numpy as jnp
from jax import lax
from jax.experimental import pallas as pl
from jax.experimental.pallas import tpu as pltpu
from jax.experimental.pallas import tpu_sc as plsc

N = 10000
E = 160000
D = 256
HALF = 128
OUT = 256

EP = 163840
NPAD = EP - E
ET = EP // 16
EW = EP // 32
CHUNK = 128
GMAIN = ET // CHUNK
GCNT = EW // CHUNK
GRP = 8
ROWS_T = 10112 // 16
NR = 10112

MB = 1536
RB = 1000
EB = EP // 64


def _h_body(x_ref, w_ref, a_ref, m_ref, out_ref):
    i = pl.program_id(0)
    xb = x_ref[...]
    a = a_ref[0, 0]
    h = jnp.where(xb > 0, xb, a * xb)
    h = lax.dot_general(h, w_ref[...], (((1,), (1,)), ((), ())),
                        preferred_element_type=jnp.float32)
    rows = i * RB + lax.broadcasted_iota(jnp.int32, (RB, 1), 0)
    masked = jnp.any(rows == m_ref[...], axis=1)
    h = jnp.where(masked[:, None], 0.0, h)
    out_ref[0] = h[:, :HALF]
    out_ref[1] = h[:, HALF:]


def _onehot_body(ea_ref, out_ref):
    i = pl.program_id(0)
    a = ea_ref[...]
    j = lax.broadcasted_iota(jnp.int32, (EB, HALF), 1)
    oh = ((j == a[:, 0:1]).astype(jnp.float32)
          + (j == 5 + a[:, 1:2]).astype(jnp.float32)
          + (j == 8 + a[:, 2:3]).astype(jnp.float32)
          + (j == 11 + a[:, 3:4]).astype(jnp.float32))
    rows = i * EB + lax.broadcasted_iota(jnp.int32, (EB, 1), 0)
    out_ref[...] = jnp.where(rows < E, oh, 0.0)


def _mlp_body(h_ref, seg_ref, cnt_ref, cemb_ref, w1_ref, b1_ref, w2_ref,
              b2_ref, out_ref):
    h = jnp.concatenate([h_ref[0], h_ref[1]], axis=1)
    seg = jnp.concatenate([seg_ref[0], seg_ref[1]], axis=1)
    cnt = cnt_ref[0][:, :16] + cnt_ref[1][:, :16]
    cemb = cemb_ref[...]
    const = cemb[4] + cemb[5] + cemb[8] + cemb[11]
    aggr = (h + seg + const[None, :]
            + jnp.dot(cnt, cemb, preferred_element_type=jnp.float32))
    hid = lax.dot_general(aggr, w1_ref[...], (((1,), (1,)), ((), ())),
                          preferred_element_type=jnp.float32)
    hid = jnp.maximum(hid + b1_ref[...], 0.0)
    o = lax.dot_general(hid, w2_ref[...], (((1,), (1,)), ((), ())),
                        preferred_element_type=jnp.float32)
    out_ref[...] = o + b2_ref[...]


def _sc_main_body(h_hbm, sd_hbm, z128_hbm, seg_hbm,
                  sd_c, gbufa, gbufb, aggr_sh, sema, semb):
    c = lax.axis_index("c")
    s = lax.axis_index("s")

    pltpu.sync_copy(z128_hbm, gbufa)
    for t, nr in ((0, CHUNK), (1, CHUNK), (2, CHUNK), (3, CHUNK),
                  (4, ROWS_T - 4 * CHUNK)):
        pltpu.sync_copy(gbufa.at[pl.ds(0, nr)],
                        aggr_sh.at[pl.ds(s * ROWS_T + t * CHUNK, nr)])

    plsc.subcore_barrier()

    def main_body(g, cy):
        pair = c * (EP // CHUNK) + s * GMAIN + 2 * g
        pltpu.sync_copy(sd_hbm.at[pl.ds(2 * pair, 4)], sd_c)
        cpa = pltpu.async_copy(h_hbm.at[sd_c.at[0]], gbufa, sema)
        cpb = pltpu.async_copy(h_hbm.at[sd_c.at[2]], gbufb, semb)
        cpa.wait()
        sca = pltpu.async_copy(gbufa, aggr_sh.at[sd_c.at[1]], sema,
                               add=True)
        cpb.wait()
        scb = pltpu.async_copy(gbufb, aggr_sh.at[sd_c.at[3]], semb,
                               add=True)
        sca.wait()
        scb.wait()
        return cy

    lax.fori_loop(0, GMAIN // 2, main_body, 0)

    plsc.subcore_barrier()

    for t, nr in ((0, CHUNK), (1, CHUNK), (2, CHUNK), (3, CHUNK),
                  (4, ROWS_T - 4 * CHUNK)):
        r0 = s * ROWS_T + t * CHUNK
        pltpu.sync_copy(aggr_sh.at[pl.ds(r0, nr)], gbufa.at[pl.ds(0, nr)])
        pltpu.sync_copy(gbufa.at[pl.ds(0, nr)],
                        seg_hbm.at[pl.ds(c * NR + r0, nr)])


def _sc_cnt_body(dst_hbm, oh_hbm, z128_hbm, segdep_hbm, cnt_hbm,
                 dst_c, obuf, cnt_sh, sem):
    del segdep_hbm
    c = lax.axis_index("c")
    s = lax.axis_index("s")
    wid = c * 16 + s

    pltpu.sync_copy(z128_hbm, obuf)
    for t, nr in ((0, CHUNK), (1, CHUNK), (2, CHUNK), (3, CHUNK),
                  (4, ROWS_T - 4 * CHUNK)):
        pltpu.sync_copy(obuf.at[pl.ds(0, nr)],
                        cnt_sh.at[pl.ds(s * ROWS_T + t * CHUNK, nr)])

    plsc.subcore_barrier()

    def cnt_body(g, cy):
        pltpu.sync_copy(dst_hbm.at[wid * GCNT + g], dst_c)
        pltpu.sync_copy(
            oh_hbm.at[pl.ds((wid * GCNT + g) * CHUNK, CHUNK)], obuf)
        pltpu.sync_copy(obuf, cnt_sh.at[dst_c], add=True)
        return cy

    lax.fori_loop(0, GCNT, cnt_body, 0)

    plsc.subcore_barrier()

    for t, nr in ((0, CHUNK), (1, CHUNK), (2, CHUNK), (3, CHUNK),
                  (4, ROWS_T - 4 * CHUNK)):
        r0 = s * ROWS_T + t * CHUNK
        pltpu.sync_copy(cnt_sh.at[pl.ds(r0, nr)], obuf.at[pl.ds(0, nr)])
        pltpu.sync_copy(obuf.at[pl.ds(0, nr)],
                        cnt_hbm.at[pl.ds(c * NR + r0, nr)])


_sc_main = functools.partial(
    pl.kernel,
    out_type=jax.ShapeDtypeStruct((2 * NR, HALF), jnp.float32),
    mesh=plsc.VectorSubcoreMesh(core_axis_name="c", subcore_axis_name="s"),
    scratch_types=[
        pltpu.VMEM((4, CHUNK), jnp.int32),
        pltpu.VMEM((CHUNK, HALF), jnp.float32),
        pltpu.VMEM((CHUNK, HALF), jnp.float32),
        pltpu.VMEM_SHARED((NR, HALF), jnp.float32),
        pltpu.SemaphoreType.DMA,
        pltpu.SemaphoreType.DMA,
    ],
)(_sc_main_body)

_sc_cnt = functools.partial(
    pl.kernel,
    out_type=jax.ShapeDtypeStruct((2 * NR, HALF), jnp.float32),
    mesh=plsc.VectorSubcoreMesh(core_axis_name="c", subcore_axis_name="s"),
    scratch_types=[
        pltpu.VMEM((CHUNK,), jnp.int32),
        pltpu.VMEM((CHUNK, HALF), jnp.float32),
        pltpu.VMEM_SHARED((NR, HALF), jnp.float32),
        pltpu.SemaphoreType.DMA,
    ],
)(_sc_cnt_body)


@jax.jit
def kernel(x, edge_index, edge_attr, mask_node_indices, prelu_a, W_enc,
           emb1, emb2, emb3, emb4, W1, b1, W2, b2):
    mpad = jnp.pad(mask_node_indices, (0, MB - mask_node_indices.shape[0]),
                   constant_values=-1).reshape(1, MB)
    h_split = pl.pallas_call(
        _h_body,
        grid=(N // RB,),
        in_specs=[
            pl.BlockSpec((RB, D), lambda i: (i, 0)),
            pl.BlockSpec((D, D), lambda i: (0, 0)),
            pl.BlockSpec((1, 1), lambda i: (0, 0)),
            pl.BlockSpec((1, MB), lambda i: (0, 0)),
        ],
        out_specs=pl.BlockSpec((2, RB, HALF), lambda i: (0, i, 0)),
        out_shape=jax.ShapeDtypeStruct((2, N, HALF), jnp.float32),
    )(x, W_enc, prelu_a.reshape(1, 1), mpad)

    ea_p = jnp.pad(edge_attr, ((0, NPAD), (0, 0)))
    onehot = pl.pallas_call(
        _onehot_body,
        grid=(64,),
        in_specs=[pl.BlockSpec((EB, 4), lambda i: (i, 0))],
        out_specs=pl.BlockSpec((EB, HALF), lambda i: (i, 0)),
        out_shape=jax.ShapeDtypeStruct((EP, HALF), jnp.float32),
    )(ea_p)

    src_p = jnp.concatenate([edge_index[0], jnp.zeros((NPAD,), jnp.int32)])
    dst_p = jnp.concatenate(
        [edge_index[1], jnp.full((NPAD,), N, jnp.int32)])
    dst2d = dst_p.reshape(-1, CHUNK)
    src3d = jnp.concatenate(
        [src_p, src_p + N]).reshape(2, EP // CHUNK, CHUNK)
    sd2d = jnp.stack(
        [src3d,
         jnp.broadcast_to(dst2d[None], (2, EP // CHUNK, CHUNK))],
        axis=2).reshape(4 * (EP // CHUNK), CHUNK)
    h_flat = h_split.reshape(2 * N, HALF)
    z128 = jnp.zeros((CHUNK, HALF), jnp.float32)
    seg_flat = _sc_main(h_flat, sd2d, z128)
    cnt_flat = _sc_cnt(dst2d, onehot, z128, seg_flat)
    seg = seg_flat.reshape(2, NR, HALF)[:, :N, :]
    cnt = cnt_flat.reshape(2, NR, HALF)[:, :N, :]

    cemb = jnp.concatenate(
        [emb1, emb2, emb3, emb4, jnp.zeros((2, D), jnp.float32)], axis=0)
    out = pl.pallas_call(
        _mlp_body,
        grid=(N // RB,),
        in_specs=[
            pl.BlockSpec((2, RB, HALF), lambda i: (0, i, 0)),
            pl.BlockSpec((2, RB, HALF), lambda i: (0, i, 0)),
            pl.BlockSpec((2, RB, HALF), lambda i: (0, i, 0)),
            pl.BlockSpec((16, D), lambda i: (0, 0)),
            pl.BlockSpec((2 * D, D), lambda i: (0, 0)),
            pl.BlockSpec((1, 2 * D), lambda i: (0, 0)),
            pl.BlockSpec((OUT, 2 * D), lambda i: (0, 0)),
            pl.BlockSpec((1, OUT), lambda i: (0, 0)),
        ],
        out_specs=pl.BlockSpec((RB, OUT), lambda i: (i, 0)),
        out_shape=jax.ShapeDtypeStruct((N, OUT), jnp.float32),
    )(h_split, seg, cnt, cemb, W1, b1.reshape(1, 2 * D), W2,
      b2.reshape(1, OUT))
    return out

# --- scband reference (transcript-rebuilt; emitter-appended) ---
"""Pipeline reference for scband-gnndecoder-32847909880437 (READ-ONLY COPY).

The authoritative reference and input builder live on the scoring server;
editing this copy changes nothing except your own understanding.
"""

import jax, jax.numpy as jnp
import numpy as np

N = 10000
E = 160000
D = 256
OUT = 256
M = 1500


def setup_inputs(seed: int = 0) -> dict:
    key = jax.random.key(seed)
    ks = jax.random.split(key, 16)
    x = jax.random.normal(ks[0], (N, D), dtype=jnp.float32)
    edge_index = jax.random.randint(ks[1], (2, E), 0, N, dtype=jnp.int32)
    edge_attr = jax.random.randint(ks[2], (E, 4), 0, 3, dtype=jnp.int32)
    mask_node_indices = jax.random.randint(ks[3], (M,), 0, N, dtype=jnp.int32)
    prelu_a = jnp.full((1,), 0.25, dtype=jnp.float32)
    W_enc = jax.random.normal(ks[4], (D, D), dtype=jnp.float32) * (1.0 / np.sqrt(D))
    emb1 = jax.random.normal(ks[5], (5, D), dtype=jnp.float32) * 0.1
    emb2 = jax.random.normal(ks[6], (3, D), dtype=jnp.float32) * 0.1
    emb3 = jax.random.normal(ks[7], (3, D), dtype=jnp.float32) * 0.1
    emb4 = jax.random.normal(ks[8], (3, D), dtype=jnp.float32) * 0.1
    W1 = jax.random.normal(ks[9], (2 * D, D), dtype=jnp.float32) * (1.0 / np.sqrt(D))
    b1 = jnp.zeros((2 * D,), dtype=jnp.float32)
    W2 = jax.random.normal(ks[10], (OUT, 2 * D), dtype=jnp.float32) * (1.0 / np.sqrt(2 * D))
    b2 = jnp.zeros((OUT,), dtype=jnp.float32)
    return {
        "x": x,
        "edge_index": edge_index,
        "edge_attr": edge_attr,
        "mask_node_indices": mask_node_indices,
        "prelu_a": prelu_a,
        "W_enc": W_enc,
        "emb1": emb1,
        "emb2": emb2,
        "emb3": emb3,
        "emb4": emb4,
        "W1": W1,
        "b1": b1,
        "W2": W2,
        "b2": b2,
    }


def reference(x, edge_index, edge_attr, mask_node_indices, prelu_a, W_enc, emb1, emb2, emb3, emb4, W1, b1, W2, b2):
    # PReLU activation
    h = jnp.where(x > 0, x, prelu_a * x)
    # enc_to_dec linear (no bias)
    h = h @ W_enc.T
    # zero out masked node rows
    h = h.at[mask_node_indices].set(0.0)
    n = h.shape[0]
    # add self loops
    sl = jnp.arange(n, dtype=edge_index.dtype)
    ei = jnp.concatenate([edge_index, jnp.stack([sl, sl], axis=0)], axis=1)
    sl_attr = jnp.zeros((n, 4), dtype=edge_attr.dtype).at[:, 0].set(4)
    ea = jnp.concatenate([edge_attr, sl_attr], axis=0)
    # edge embeddings (sum of 4 lookups)
    eemb = emb1[ea[:, 0]] + emb2[ea[:, 1]] + emb3[ea[:, 2]] + emb4[ea[:, 3]]
    # message: x_j + edge_attr, gather from source nodes ei[0]
    msg = h[ei[0]] + eemb
    # aggregate (add) at destination nodes ei[1]
    aggr = jax.ops.segment_sum(msg, ei[1], num_segments=n)
    # update MLP: Linear(D, 2D) -> ReLU -> Linear(2D, OUT)
    hid = jax.nn.relu(aggr @ W1.T + b1)
    out = hid @ W2.T + b2
    return out

if __name__ == "__main__":
    import jax
    _d = setup_inputs()
    print(jax.jit(kernel)(*tuple(_d.values())))

</pallas_src>

<mosaic_0001>
#map = affine_map<(d0, d1) -> (0, 0)>
module attributes {stable_mosaic.version = 14 : i64} {
  func.func @_sc_main_body(%arg0: i32, %arg1: i32, %arg2: memref<20000x128xf32, #tpu.memory_space<hbm>>, %arg3: memref<5120x128xi32, #tpu.memory_space<hbm>>, %arg4: memref<128x128xf32, #tpu.memory_space<hbm>>, %arg5: memref<20224x128xf32, #tpu.memory_space<hbm>>, %arg6: memref<4x128xi32, #tpu.memory_space<vmem>>, %arg7: memref<128x128xf32, #tpu.memory_space<vmem>>, %arg8: memref<128x128xf32, #tpu.memory_space<vmem>>, %arg9: memref<10112x128xf32, #tpu.memory_space<vmem_shared>>, %arg10: memref<!tpu.dma_semaphore, #tpu.memory_space<semaphore_mem>>, %arg11: memref<!tpu.dma_semaphore, #tpu.memory_space<semaphore_mem>>) attributes {dimension_semantics = [#tpu.dimension_semantics<core_parallel>, #tpu.dimension_semantics<subcore_parallel>], iteration_bounds = array<i64: 2, 16>, scalar_prefetch = 0 : i64, scratch_operands = 6 : i64, tpu.core_type = #tpu.core_type<sc_vector_subcore>, window_params = [{transform_indices = #map}, {transform_indices = #map}, {transform_indices = #map}, {transform_indices = #map}]} {
    "tpu.region"() ({
      %run_scoped3A = tpu.sem_alloc : memref<!tpu.dma_semaphore, #tpu.memory_space<semaphore_mem>>
      tpu.enqueue_dma source(%arg4 : memref<128x128xf32, #tpu.memory_space<hbm>>) target(%arg7 : memref<128x128xf32, #tpu.memory_space<vmem>>) target_semaphore(%run_scoped3A : memref<!tpu.dma_semaphore, #tpu.memory_space<semaphore_mem>>)
      tpu.wait_dma2 semaphore(%run_scoped3A : memref<!tpu.dma_semaphore, #tpu.memory_space<semaphore_mem>>) src(%arg4 : memref<128x128xf32, #tpu.memory_space<hbm>>) dst(%arg7 : memref<128x128xf32, #tpu.memory_space<vmem>>)
      tpu.yield
    }) : () -> ()
    %mul3A = arith.constant 632 : i32
    %mul3A_0 = arith.muli %arg1, %mul3A : i32
    %add3A = arith.constant 0 : i32
    %add3A_1 = arith.addi %mul3A_0, %add3A : i32
    "tpu.region"() ({
      %run_scoped3A = tpu.sem_alloc : memref<!tpu.dma_semaphore, #tpu.memory_space<semaphore_mem>>
      %dma_start3A = arith.constant 0 : i32
      %dma_start3A_59 = arith.constant 0 : i32
      %dma_start3A_60 = tpu.memref_slice %arg7[%dma_start3A, %dma_start3A_59] : memref<128x128xf32, #tpu.memory_space<vmem>> -> memref<128x128xf32, #tpu.memory_space<vmem>>
      %dma_start3A_61 = arith.constant 0 : i32
      %dma_start3A_62 = tpu.memref_slice %arg9[%add3A_1, %dma_start3A_61] : memref<10112x128xf32, #tpu.memory_space<vmem_shared>> -> memref<128x128xf32, #tpu.memory_space<vmem_shared>>
      %dma_start3A_63 = arith.constant 0 : i32
      %dma_start3A_64 = tpu.memref_slice %arg9[%add3A_1, %dma_start3A_63] : memref<10112x128xf32, #tpu.memory_space<vmem_shared>> -> memref<128x128xf32, #tpu.memory_space<vmem_shared>>
      %dma_start3A_65 = arith.constant 0 : i32
      %dma_start3A_66 = arith.constant 0 : i32
      %dma_start3A_67 = tpu.memref_slice %arg7[%dma_start3A_65, %dma_start3A_66] : memref<128x128xf32, #tpu.memory_space<vmem>> -> memref<128x128xf32, #tpu.memory_space<vmem>>
      tpu.enqueue_dma source(%dma_start3A_67 : memref<128x128xf32, #tpu.memory_space<vmem>>) target(%dma_start3A_64 : memref<128x128xf32, #tpu.memory_space<vmem_shared>>) target_semaphore(%run_scoped3A : memref<!tpu.dma_semaphore, #tpu.memory_space<semaphore_mem>>)
      %dma_wait3A = arith.constant 0 : i32
      %dma_wait3A_68 = arith.constant 0 : i32
      %dma_wait3A_69 = tpu.memref_slice %arg7[%dma_wait3A, %dma_wait3A_68] : memref<128x128xf32, #tpu.memory_space<vmem>> -> memref<128x128xf32, #tpu.memory_space<vmem>>
      %dma_wait3A_70 = arith.constant 0 : i32
      %dma_wait3A_71 = tpu.memref_slice %arg9[%add3A_1, %dma_wait3A_70] : memref<10112x128xf32, #tpu.memory_space<vmem_shared>> -> memref<128x128xf32, #tpu.memory_space<vmem_shared>>
      %dma_wait3A_72 = arith.constant 0 : i32
      %dma_wait3A_73 = tpu.memref_slice %arg9[%add3A_1, %dma_wait3A_72] : memref<10112x128xf32, #tpu.memory_space<vmem_shared>> -> memref<128x128xf32, #tpu.memory_space<vmem_shared>>
      %dma_wait3A_74 = arith.constant 0 : i32
      %dma_wait3A_75 = arith.constant 0 : i32
      %dma_wait3A_76 = tpu.memref_slice %arg7[%dma_wait3A_74, %dma_wait3A_75] : memref<128x128xf32, #tpu.memory_space<vmem>> -> memref<128x128xf32, #tpu.memory_space<vmem>>
      tpu.wait_dma2 semaphore(%run_scoped3A : memref<!tpu.dma_semaphore, #tpu.memory_space<semaphore_mem>>) src(%dma_wait3A_76 : memref<128x128xf32, #tpu.memory_space<vmem>>) dst(%dma_wait3A_73 : memref<128x128xf32, #tpu.memory_space<vmem_shared>>)
      tpu.yield
    }) : () -> ()
    %mul3A_2 = arith.constant 632 : i32
    %mul3A_3 = arith.muli %arg1, %mul3A_2 : i32
    %add3A_4 = arith.constant 128 : i32
    %add3A_5 = arith.addi %mul3A_3, %add3A_4 : i32
    "tpu.region"() ({
      %run_scoped3A = tpu.sem_alloc : memref<!tpu.dma_semaphore, #tpu.memory_space<semaphore_mem>>
      %dma_start3A = arith.constant 0 : i32
      %dma_start3A_59 = arith.constant 0 : i32
      %dma_start3A_60 = tpu.memref_slice %arg7[%dma_start3A, %dma_start3A_59] : memref<128x128xf32, #tpu.memory_space<vmem>> -> memref<128x128xf32, #tpu.memory_space<vmem>>
      %dma_start3A_61 = arith.constant 0 : i32
      %dma_start3A_62 = tpu.memref_slice %arg9[%add3A_5, %dma_start3A_61] : memref<10112x128xf32, #tpu.memory_space<vmem_shared>> -> memref<128x128xf32, #tpu.memory_space<vmem_shared>>
      %dma_start3A_63 = arith.constant 0 : i32
      %dma_start3A_64 = tpu.memref_slice %arg9[%add3A_5, %dma_start3A_63] : memref<10112x128xf32, #tpu.memory_space<vmem_shared>> -> memref<128x128xf32, #tpu.memory_space<vmem_shared>>
      %dma_start3A_65 = arith.constant 0 : i32
      %dma_start3A_66 = arith.constant 0 : i32
      %dma_start3A_67 = tpu.memref_slice %arg7[%dma_start3A_65, %dma_start3A_66] : memref<128x128xf32, #tpu.memory_space<vmem>> -> memref<128x128xf32, #tpu.memory_space<vmem>>
      tpu.enqueue_dma source(%dma_start3A_67 : memref<128x128xf32, #tpu.memory_space<vmem>>) target(%dma_start3A_64 : memref<128x128xf32, #tpu.memory_space<vmem_shared>>) target_semaphore(%run_scoped3A : memref<!tpu.dma_semaphore, #tpu.memory_space<semaphore_mem>>)
      %dma_wait3A = arith.constant 0 : i32
      %dma_wait3A_68 = arith.constant 0 : i32
      %dma_wait3A_69 = tpu.memref_slice %arg7[%dma_wait3A, %dma_wait3A_68] : memref<128x128xf32, #tpu.memory_space<vmem>> -> memref<128x128xf32, #tpu.memory_space<vmem>>
      %dma_wait3A_70 = arith.constant 0 : i32
      %dma_wait3A_71 = tpu.memref_slice %arg9[%add3A_5, %dma_wait3A_70] : memref<10112x128xf32, #tpu.memory_space<vmem_shared>> -> memref<128x128xf32, #tpu.memory_space<vmem_shared>>
      %dma_wait3A_72 = arith.constant 0 : i32
      %dma_wait3A_73 = tpu.memref_slice %arg9[%add3A_5, %dma_wait3A_72] : memref<10112x128xf32, #tpu.memory_space<vmem_shared>> -> memref<128x128xf32, #tpu.memory_space<vmem_shared>>
      %dma_wait3A_74 = arith.constant 0 : i32
      %dma_wait3A_75 = arith.constant 0 : i32
      %dma_wait3A_76 = tpu.memref_slice %arg7[%dma_wait3A_74, %dma_wait3A_75] : memref<128x128xf32, #tpu.memory_space<vmem>> -> memref<128x128xf32, #tpu.memory_space<vmem>>
      tpu.wait_dma2 semaphore(%run_scoped3A : memref<!tpu.dma_semaphore, #tpu.memory_space<semaphore_mem>>) src(%dma_wait3A_76 : memref<128x128xf32, #tpu.memory_space<vmem>>) dst(%dma_wait3A_73 : memref<128x128xf32, #tpu.memory_space<vmem_shared>>)
      tpu.yield
    }) : () -> ()
    %mul3A_6 = arith.constant 632 : i32
    %mul3A_7 = arith.muli %arg1, %mul3A_6 : i32
    %add3A_8 = arith.constant 256 : i32
    %add3A_9 = arith.addi %mul3A_7, %add3A_8 : i32
    "tpu.region"() ({
      %run_scoped3A = tpu.sem_alloc : memref<!tpu.dma_semaphore, #tpu.memory_space<semaphore_mem>>
      %dma_start3A = arith.constant 0 : i32
      %dma_start3A_59 = arith.constant 0 : i32
      %dma_start3A_60 = tpu.memref_slice %arg7[%dma_start3A, %dma_start3A_59] : memref<128x128xf32, #tpu.memory_space<vmem>> -> memref<128x128xf32, #tpu.memory_space<vmem>>
      %dma_start3A_61 = arith.constant 0 : i32
      %dma_start3A_62 = tpu.memref_slice %arg9[%add3A_9, %dma_start3A_61] : memref<10112x128xf32, #tpu.memory_space<vmem_shared>> -> memref<128x128xf32, #tpu.memory_space<vmem_shared>>
      %dma_start3A_63 = arith.constant 0 : i32
      %dma_start3A_64 = tpu.memref_slice %arg9[%add3A_9, %dma_start3A_63] : memref<10112x128xf32, #tpu.memory_space<vmem_shared>> -> memref<128x128xf32, #tpu.memory_space<vmem_shared>>
      %dma_start3A_65 = arith.constant 0 : i32
      %dma_start3A_66 = arith.constant 0 : i32
      %dma_start3A_67 = tpu.memref_slice %arg7[%dma_start3A_65, %dma_start3A_66] : memref<128x128xf32, #tpu.memory_space<vmem>> -> memref<128x128xf32, #tpu.memory_space<vmem>>
      tpu.enqueue_dma source(%dma_start3A_67 : memref<128x128xf32, #tpu.memory_space<vmem>>) target(%dma_start3A_64 : memref<128x128xf32, #tpu.memory_space<vmem_shared>>) target_semaphore(%run_scoped3A : memref<!tpu.dma_semaphore, #tpu.memory_space<semaphore_mem>>)
      %dma_wait3A = arith.constant 0 : i32
      %dma_wait3A_68 = arith.constant 0 : i32
      %dma_wait3A_69 = tpu.memref_slice %arg7[%dma_wait3A, %dma_wait3A_68] : memref<128x128xf32, #tpu.memory_space<vmem>> -> memref<128x128xf32, #tpu.memory_space<vmem>>
      %dma_wait3A_70 = arith.constant 0 : i32
      %dma_wait3A_71 = tpu.memref_slice %arg9[%add3A_9, %dma_wait3A_70] : memref<10112x128xf32, #tpu.memory_space<vmem_shared>> -> memref<128x128xf32, #tpu.memory_space<vmem_shared>>
      %dma_wait3A_72 = arith.constant 0 : i32
      %dma_wait3A_73 = tpu.memref_slice %arg9[%add3A_9, %dma_wait3A_72] : memref<10112x128xf32, #tpu.memory_space<vmem_shared>> -> memref<128x128xf32, #tpu.memory_space<vmem_shared>>
      %dma_wait3A_74 = arith.constant 0 : i32
      %dma_wait3A_75 = arith.constant 0 : i32
      %dma_wait3A_76 = tpu.memref_slice %arg7[%dma_wait3A_74, %dma_wait3A_75] : memref<128x128xf32, #tpu.memory_space<vmem>> -> memref<128x128xf32, #tpu.memory_space<vmem>>
      tpu.wait_dma2 semaphore(%run_scoped3A : memref<!tpu.dma_semaphore, #tpu.memory_space<semaphore_mem>>) src(%dma_wait3A_76 : memref<128x128xf32, #tpu.memory_space<vmem>>) dst(%dma_wait3A_73 : memref<128x128xf32, #tpu.memory_space<vmem_shared>>)
      tpu.yield
    }) : () -> ()
    %mul3A_10 = arith.constant 632 : i32
    %mul3A_11 = arith.muli %arg1, %mul3A_10 : i32
    %add3A_12 = arith.constant 384 : i32
    %add3A_13 = arith.addi %mul3A_11, %add3A_12 : i32
    "tpu.region"() ({
      %run_scoped3A = tpu.sem_alloc : memref<!tpu.dma_semaphore, #tpu.memory_space<semaphore_mem>>
      %dma_start3A = arith.constant 0 : i32
      %dma_start3A_59 = arith.constant 0 : i32
      %dma_start3A_60 = tpu.memref_slice %arg7[%dma_start3A, %dma_start3A_59] : memref<128x128xf32, #tpu.memory_space<vmem>> -> memref<128x128xf32, #tpu.memory_space<vmem>>
      %dma_start3A_61 = arith.constant 0 : i32
      %dma_start3A_62 = tpu.memref_slice %arg9[%add3A_13, %dma_start3A_61] : memref<10112x128xf32, #tpu.memory_space<vmem_shared>> -> memref<128x128xf32, #tpu.memory_space<vmem_shared>>
      %dma_start3A_63 = arith.constant 0 : i32
      %dma_start3A_64 = tpu.memref_slice %arg9[%add3A_13, %dma_start3A_63] : memref<10112x128xf32, #tpu.memory_space<vmem_shared>> -> memref<128x128xf32, #tpu.memory_space<vmem_shared>>
      %dma_start3A_65 = arith.constant 0 : i32
      %dma_start3A_66 = arith.constant 0 : i32
      %dma_start3A_67 = tpu.memref_slice %arg7[%dma_start3A_65, %dma_start3A_66] : memref<128x128xf32, #tpu.memory_space<vmem>> -> memref<128x128xf32, #tpu.memory_space<vmem>>
      tpu.enqueue_dma source(%dma_start3A_67 : memref<128x128xf32, #tpu.memory_space<vmem>>) target(%dma_start3A_64 : memref<128x128xf32, #tpu.memory_space<vmem_shared>>) target_semaphore(%run_scoped3A : memref<!tpu.dma_semaphore, #tpu.memory_space<semaphore_mem>>)
      %dma_wait3A = arith.constant 0 : i32
      %dma_wait3A_68 = arith.constant 0 : i32
      %dma_wait3A_69 = tpu.memref_slice %arg7[%dma_wait3A, %dma_wait3A_68] : memref<128x128xf32, #tpu.memory_space<vmem>> -> memref<128x128xf32, #tpu.memory_space<vmem>>
      %dma_wait3A_70 = arith.constant 0 : i32
      %dma_wait3A_71 = tpu.memref_slice %arg9[%add3A_13, %dma_wait3A_70] : memref<10112x128xf32, #tpu.memory_space<vmem_shared>> -> memref<128x128xf32, #tpu.memory_space<vmem_shared>>
      %dma_wait3A_72 = arith.constant 0 : i32
      %dma_wait3A_73 = tpu.memref_slice %arg9[%add3A_13, %dma_wait3A_72] : memref<10112x128xf32, #tpu.memory_space<vmem_shared>> -> memref<128x128xf32, #tpu.memory_space<vmem_shared>>
      %dma_wait3A_74 = arith.constant 0 : i32
      %dma_wait3A_75 = arith.constant 0 : i32
      %dma_wait3A_76 = tpu.memref_slice %arg7[%dma_wait3A_74, %dma_wait3A_75] : memref<128x128xf32, #tpu.memory_space<vmem>> -> memref<128x128xf32, #tpu.memory_space<vmem>>
      tpu.wait_dma2 semaphore(%run_scoped3A : memref<!tpu.dma_semaphore, #tpu.memory_space<semaphore_mem>>) src(%dma_wait3A_76 : memref<128x128xf32, #tpu.memory_space<vmem>>) dst(%dma_wait3A_73 : memref<128x128xf32, #tpu.memory_space<vmem_shared>>)
      tpu.yield
    }) : () -> ()
    %mul3A_14 = arith.constant 632 : i32
    %mul3A_15 = arith.muli %arg1, %mul3A_14 : i32
    %add3A_16 = arith.constant 512 : i32
    %add3A_17 = arith.addi %mul3A_15, %add3A_16 : i32
    "tpu.region"() ({
      %run_scoped3A = tpu.sem_alloc : memref<!tpu.dma_semaphore, #tpu.memory_space<semaphore_mem>>
      %dma_start3A = arith.constant 0 : i32
      %dma_start3A_59 = arith.constant 0 : i32
      %dma_start3A_60 = tpu.memref_slice %arg7[%dma_start3A, %dma_start3A_59] : memref<128x128xf32, #tpu.memory_space<vmem>> -> memref<120x128xf32, #tpu.memory_space<vmem>>
      %dma_start3A_61 = arith.constant 0 : i32
      %dma_start3A_62 = tpu.memref_slice %arg9[%add3A_17, %dma_start3A_61] : memref<10112x128xf32, #tpu.memory_space<vmem_shared>> -> memref<120x128xf32, #tpu.memory_space<vmem_shared>>
      %dma_start3A_63 = arith.constant 0 : i32
      %dma_start3A_64 = tpu.memref_slice %arg9[%add3A_17, %dma_start3A_63] : memref<10112x128xf32, #tpu.memory_space<vmem_shared>> -> memref<120x128xf32, #tpu.memory_space<vmem_shared>>
      %dma_start3A_65 = arith.constant 0 : i32
      %dma_start3A_66 = arith.constant 0 : i32
      %dma_start3A_67 = tpu.memref_slice %arg7[%dma_start3A_65, %dma_start3A_66] : memref<128x128xf32, #tpu.memory_space<vmem>> -> memref<120x128xf32, #tpu.memory_space<vmem>>
      tpu.enqueue_dma source(%dma_start3A_67 : memref<120x128xf32, #tpu.memory_space<vmem>>) target(%dma_start3A_64 : memref<120x128xf32, #tpu.memory_space<vmem_shared>>) target_semaphore(%run_scoped3A : memref<!tpu.dma_semaphore, #tpu.memory_space<semaphore_mem>>)
      %dma_wait3A = arith.constant 0 : i32
      %dma_wait3A_68 = arith.constant 0 : i32
      %dma_wait3A_69 = tpu.memref_slice %arg7[%dma_wait3A, %dma_wait3A_68] : memref<128x128xf32, #tpu.memory_space<vmem>> -> memref<120x128xf32, #tpu.memory_space<vmem>>
      %dma_wait3A_70 = arith.constant 0 : i32
      %dma_wait3A_71 = tpu.memref_slice %arg9[%add3A_17, %dma_wait3A_70] : memref<10112x128xf32, #tpu.memory_space<vmem_shared>> -> memref<120x128xf32, #tpu.memory_space<vmem_shared>>
      %dma_wait3A_72 = arith.constant 0 : i32
      %dma_wait3A_73 = tpu.memref_slice %arg9[%add3A_17, %dma_wait3A_72] : memref<10112x128xf32, #tpu.memory_space<vmem_shared>> -> memref<120x128xf32, #tpu.memory_space<vmem_shared>>
      %dma_wait3A_74 = arith.constant 0 : i32
      %dma_wait3A_75 = arith.constant 0 : i32
      %dma_wait3A_76 = tpu.memref_slice %arg7[%dma_wait3A_74, %dma_wait3A_75] : memref<128x128xf32, #tpu.memory_space<vmem>> -> memref<120x128xf32, #tpu.memory_space<vmem>>
      tpu.wait_dma2 semaphore(%run_scoped3A : memref<!tpu.dma_semaphore, #tpu.memory_space<semaphore_mem>>) src(%dma_wait3A_76 : memref<120x128xf32, #tpu.memory_space<vmem>>) dst(%dma_wait3A_73 : memref<120x128xf32, #tpu.memory_space<vmem_shared>>)
      tpu.yield
    }) : () -> ()
    %barrier3A = arith.constant 0 : index
    tpu.barrier barrier_id(%barrier3A)
    %scan3A = arith.constant 0 : i32
    %scan3A_18 = arith.constant 0 : i32
    %scan3A_19 = arith.constant 40 : i32
    %scan3A_20 = arith.addi %scan3A_18, %scan3A_19 : i32
    %scan3A_21 = arith.constant 1 : i32
    scf.for %scan3A_59 = %scan3A_18 to %scan3A_20 step %scan3A_21  : i32 {
      %mul3A_60 = arith.constant 1280 : i32
      %mul3A_61 = arith.muli %arg0, %mul3A_60 : i32
      %mul3A_62 = arith.constant 80 : i32
      %mul3A_63 = arith.muli %arg1, %mul3A_62 : i32
      %add3A_64 = arith.addi %mul3A_61, %mul3A_63 : i32
      %mul3A_65 = arith.constant 2 : i32
      %mul3A_66 = arith.muli %mul3A_65, %scan3A_59 : i32
      %add3A_67 = arith.addi %add3A_64, %mul3A_66 : i32
      %mul3A_68 = arith.constant 2 : i32
      %mul3A_69 = arith.muli %mul3A_68, %add3A_67 : i32
      "tpu.region"() ({
        %run_scoped3A = tpu.sem_alloc : memref<!tpu.dma_semaphore, #tpu.memory_space<semaphore_mem>>
        %dma_start3A_124 = arith.constant 0 : i32
        %dma_start3A_125 = tpu.memref_slice %arg3[%mul3A_69, %dma_start3A_124] : memref<5120x128xi32, #tpu.memory_space<hbm>> -> memref<4x128xi32, #tpu.memory_space<hbm>>
        %dma_start3A_126 = arith.constant 0 : i32
        %dma_start3A_127 = tpu.memref_slice %arg3[%mul3A_69, %dma_start3A_126] : memref<5120x128xi32, #tpu.memory_space<hbm>> -> memref<4x128xi32, #tpu.memory_space<hbm>>
        tpu.enqueue_dma source(%dma_start3A_127 : memref<4x128xi32, #tpu.memory_space<hbm>>) target(%arg6 : memref<4x128xi32, #tpu.memory_space<vmem>>) target_semaphore(%run_scoped3A : memref<!tpu.dma_semaphore, #tpu.memory_space<semaphore_mem>>)
        %dma_wait3A_128 = arith.constant 0 : i32
        %dma_wait3A_129 = tpu.memref_slice %arg3[%mul3A_69, %dma_wait3A_128] : memref<5120x128xi32, #tpu.memory_space<hbm>> -> memref<4x128xi32, #tpu.memory_space<hbm>>
        %dma_wait3A_130 = arith.constant 0 : i32
        %dma_wait3A_131 = tpu.memref_slice %arg3[%mul3A_69, %dma_wait3A_130] : memref<5120x128xi32, #tpu.memory_space<hbm>> -> memref<4x128xi32, #tpu.memory_space<hbm>>
        tpu.wait_dma2 semaphore(%run_scoped3A : memref<!tpu.dma_semaphore, #tpu.memory_space<semaphore_mem>>) src(%dma_wait3A_131 : memref<4x128xi32, #tpu.memory_space<hbm>>) dst(%arg6 : memref<4x128xi32, #tpu.memory_space<vmem>>)
        tpu.yield
      }) : () -> ()
      %dma_start3A = arith.constant 0 : i32
      %dma_start3A_70 = arith.constant 0 : i32
      %dma_start3A_71 = tpu.memref_slice %arg6[%dma_start3A, %dma_start3A_70] : memref<4x128xi32, #tpu.memory_space<vmem>> -> memref<1x128xi32, #tpu.memory_space<vmem>>
      %dma_start3A_72 = tpu.memref_squeeze %dma_start3A_71 : memref<1x128xi32, #tpu.memory_space<vmem>> -> memref<128xi32, #tpu.memory_space<vmem>>
      %dma_start3A_73 = arith.constant 0 : i32
      %dma_start3A_74 = arith.constant 0 : i32
      %dma_start3A_75 = tpu.memref_slice %arg2[%dma_start3A_73, %dma_start3A_74] : memref<20000x128xf32, #tpu.memory_space<hbm>> -> memref<20000x128xf32, #tpu.memory_space<hbm>>
      tpu.enqueue_indirect_dma source(%dma_start3A_75 : memref<20000x128xf32, #tpu.memory_space<hbm>>) target(%arg7 : memref<128x128xf32, #tpu.memory_space<vmem>>) offsets(%dma_start3A_72 : memref<128xi32, #tpu.memory_space<vmem>>) semaphore(%arg10 : memref<!tpu.dma_semaphore, #tpu.memory_space<semaphore_mem>>)
      %dma_start3A_76 = arith.constant 2 : i32
      %dma_start3A_77 = arith.constant 0 : i32
      %dma_start3A_78 = tpu.memref_slice %arg6[%dma_start3A_76, %dma_start3A_77] : memref<4x128xi32, #tpu.memory_space<vmem>> -> memref<1x128xi32, #tpu.memory_space<vmem>>
      %dma_start3A_79 = tpu.memref_squeeze %dma_start3A_78 : memref<1x128xi32, #tpu.memory_space<vmem>> -> memref<128xi32, #tpu.memory_space<vmem>>
      %dma_start3A_80 = arith.constant 0 : i32
      %dma_start3A_81 = arith.constant 0 : i32
      %dma_start3A_82 = tpu.memref_slice %arg2[%dma_start3A_80, %dma_start3A_81] : memref<20000x128xf32, #tpu.memory_space<hbm>> -> memref<20000x128xf32, #tpu.memory_space<hbm>>
      tpu.enqueue_indirect_dma source(%dma_start3A_82 : memref<20000x128xf32, #tpu.memory_space<hbm>>) target(%arg8 : memref<128x128xf32, #tpu.memory_space<vmem>>) offsets(%dma_start3A_79 : memref<128xi32, #tpu.memory_space<vmem>>) semaphore(%arg11 : memref<!tpu.dma_semaphore, #tpu.memory_space<semaphore_mem>>)
      %dma_wait3A = arith.constant 0 : i32
      %dma_wait3A_83 = arith.constant 0 : i32
      %dma_wait3A_84 = tpu.memref_slice %arg6[%dma_wait3A, %dma_wait3A_83] : memref<4x128xi32, #tpu.memory_space<vmem>> -> memref<1x128xi32, #tpu.memory_space<vmem>>
      %dma_wait3A_85 = tpu.memref_squeeze %dma_wait3A_84 : memref<1x128xi32, #tpu.memory_space<vmem>> -> memref<128xi32, #tpu.memory_space<vmem>>
      %dma_wait3A_86 = arith.constant 0 : i32
      %dma_wait3A_87 = arith.constant 0 : i32
      %dma_wait3A_88 = tpu.memref_slice %arg2[%dma_wait3A_86, %dma_wait3A_87] : memref<20000x128xf32, #tpu.memory_space<hbm>> -> memref<20000x128xf32, #tpu.memory_space<hbm>>
      tpu.wait_indirect_dma semaphore(%arg10 : memref<!tpu.dma_semaphore, #tpu.memory_space<semaphore_mem>>) src(%dma_wait3A_88 : memref<20000x128xf32, #tpu.memory_space<hbm>>) dst(%arg7 : memref<128x128xf32, #tpu.memory_space<vmem>>)
      %dma_start3A_89 = arith.constant 1 : i32
      %dma_start3A_90 = arith.constant 0 : i32
      %dma_start3A_91 = tpu.memref_slice %arg6[%dma_start3A_89, %dma_start3A_90] : memref<4x128xi32, #tpu.memory_space<vmem>> -> memref<1x128xi32, #tpu.memory_space<vmem>>
      %dma_start3A_92 = tpu.memref_squeeze %dma_start3A_91 : memref<1x128xi32, #tpu.memory_space<vmem>> -> memref<128xi32, #tpu.memory_space<vmem>>
      %dma_start3A_93 = arith.constant 0 : i32
      %dma_start3A_94 = arith.constant 0 : i32
      %dma_start3A_95 = tpu.memref_slice %arg9[%dma_start3A_93, %dma_start3A_94] : memref<10112x128xf32, #tpu.memory_space<vmem_shared>> -> memref<10112x128xf32, #tpu.memory_space<vmem_shared>>
      tpu.enqueue_indirect_dma source(%arg7 : memref<128x128xf32, #tpu.memory_space<vmem>>) target(%dma_start3A_95 : memref<10112x128xf32, #tpu.memory_space<vmem_shared>>) offsets(%dma_start3A_92 : memref<128xi32, #tpu.memory_space<vmem>>) semaphore(%arg10 : memref<!tpu.dma_semaphore, #tpu.memory_space<semaphore_mem>>) {add = true}
      %dma_wait3A_96 = arith.constant 2 : i32
      %dma_wait3A_97 = arith.constant 0 : i32
      %dma_wait3A_98 = tpu.memref_slice %arg6[%dma_wait3A_96, %dma_wait3A_97] : memref<4x128xi32, #tpu.memory_space<vmem>> -> memref<1x128xi32, #tpu.memory_space<vmem>>
      %dma_wait3A_99 = tpu.memref_squeeze %dma_wait3A_98 : memref<1x128xi32, #tpu.memory_space<vmem>> -> memref<128xi32, #tpu.memory_space<vmem>>
      %dma_wait3A_100 = arith.constant 0 : i32
      %dma_wait3A_101 = arith.constant 0 : i32
      %dma_wait3A_102 = tpu.memref_slice %arg2[%dma_wait3A_100, %dma_wait3A_101] : memref<20000x128xf32, #tpu.memory_space<hbm>> -> memref<20000x128xf32, #tpu.memory_space<hbm>>
      tpu.wait_indirect_dma semaphore(%arg11 : memref<!tpu.dma_semaphore, #tpu.memory_space<semaphore_mem>>) src(%dma_wait3A_102 : memref<20000x128xf32, #tpu.memory_space<hbm>>) dst(%arg8 : memref<128x128xf32, #tpu.memory_space<vmem>>)
      %dma_start3A_103 = arith.constant 3 : i32
      %dma_start3A_104 = arith.constant 0 : i32
      %dma_start3A_105 = tpu.memref_slice %arg6[%dma_start3A_103, %dma_start3A_104] : memref<4x128xi32, #tpu.memory_space<vmem>> -> memref<1x128xi32, #tpu.memory_space<vmem>>
      %dma_start3A_106 = tpu.memref_squeeze %dma_start3A_105 : memref<1x128xi32, #tpu.memory_space<vmem>> -> memref<128xi32, #tpu.memory_space<vmem>>
      %dma_start3A_107 = arith.constant 0 : i32
      %dma_start3A_108 = arith.constant 0 : i32
      %dma_start3A_109 = tpu.memref_slice %arg9[%dma_start3A_107, %dma_start3A_108] : memref<10112x128xf32, #tpu.memory_space<vmem_shared>> -> memref<10112x128xf32, #tpu.memory_space<vmem_shared>>
      tpu.enqueue_indirect_dma source(%arg8 : memref<128x128xf32, #tpu.memory_space<vmem>>) target(%dma_start3A_109 : memref<10112x128xf32, #tpu.memory_space<vmem_shared>>) offsets(%dma_start3A_106 : memref<128xi32, #tpu.memory_space<vmem>>) semaphore(%arg11 : memref<!tpu.dma_semaphore, #tpu.memory_space<semaphore_mem>>) {add = true}
      %dma_wait3A_110 = arith.constant 1 : i32
      %dma_wait3A_111 = arith.constant 0 : i32
      %dma_wait3A_112 = tpu.memref_slice %arg6[%dma_wait3A_110, %dma_wait3A_111] : memref<4x128xi32, #tpu.memory_space<vmem>> -> memref<1x128xi32, #tpu.memory_space<vmem>>
      %dma_wait3A_113 = tpu.memref_squeeze %dma_wait3A_112 : memref<1x128xi32, #tpu.memory_space<vmem>> -> memref<128xi32, #tpu.memory_space<vmem>>
      %dma_wait3A_114 = arith.constant 0 : i32
      %dma_wait3A_115 = arith.constant 0 : i32
      %dma_wait3A_116 = tpu.memref_slice %arg9[%dma_wait3A_114, %dma_wait3A_115] : memref<10112x128xf32, #tpu.memory_space<vmem_shared>> -> memref<10112x128xf32, #tpu.memory_space<vmem_shared>>
      tpu.wait_indirect_dma semaphore(%arg10 : memref<!tpu.dma_semaphore, #tpu.memory_space<semaphore_mem>>) src(%arg7 : memref<128x128xf32, #tpu.memory_space<vmem>>) dst(%dma_wait3A_116 : memref<10112x128xf32, #tpu.memory_space<vmem_shared>>)
      %dma_wait3A_117 = arith.constant 3 : i32
      %dma_wait3A_118 = arith.constant 0 : i32
      %dma_wait3A_119 = tpu.memref_slice %arg6[%dma_wait3A_117, %dma_wait3A_118] : memref<4x128xi32, #tpu.memory_space<vmem>> -> memref<1x128xi32, #tpu.memory_space<vmem>>
      %dma_wait3A_120 = tpu.memref_squeeze %dma_wait3A_119 : memref<1x128xi32, #tpu.memory_space<vmem>> -> memref<128xi32, #tpu.memory_space<vmem>>
      %dma_wait3A_121 = arith.constant 0 : i32
      %dma_wait3A_122 = arith.constant 0 : i32
      %dma_wait3A_123 = tpu.memref_slice %arg9[%dma_wait3A_121, %dma_wait3A_122] : memref<10112x128xf32, #tpu.memory_space<vmem_shared>> -> memref<10112x128xf32, #tpu.memory_space<vmem_shared>>
      tpu.wait_indirect_dma semaphore(%arg11 : memref<!tpu.dma_semaphore, #tpu.memory_space<semaphore_mem>>) src(%arg8 : memref<128x128xf32, #tpu.memory_space<vmem>>) dst(%dma_wait3A_123 : memref<10112x128xf32, #tpu.memory_space<vmem_shared>>)
    }
    %scan3A_22 = arith.constant 40 : i32
    %barrier3A_23 = arith.constant 0 : index
    tpu.barrier barrier_id(%barrier3A_23)
    %mul3A_24 = arith.constant 632 : i32
    %mul3A_25 = arith.muli %arg1, %mul3A_24 : i32
    %add3A_26 = arith.constant 0 : i32
    %add3A_27 = arith.addi %mul3A_25, %add3A_26 : i32
    "tpu.region"() ({
      %run_scoped3A = tpu.sem_alloc : memref<!tpu.dma_semaphore, #tpu.memory_space<semaphore_mem>>
      %dma_start3A = arith.constant 0 : i32
      %dma_start3A_59 = arith.constant 0 : i32
      %dma_start3A_60 = tpu.memref_slice %arg7[%dma_start3A, %dma_start3A_59] : memref<128x128xf32, #tpu.memory_space<vmem>> -> memref<128x128xf32, #tpu.memory_space<vmem>>
      %dma_start3A_61 = arith.constant 0 : i32
      %dma_start3A_62 = tpu.memref_slice %arg9[%add3A_27, %dma_start3A_61] : memref<10112x128xf32, #tpu.memory_space<vmem_shared>> -> memref<128x128xf32, #tpu.memory_space<vmem_shared>>
      %dma_start3A_63 = arith.constant 0 : i32
      %dma_start3A_64 = arith.constant 0 : i32
      %dma_start3A_65 = tpu.memref_slice %arg7[%dma_start3A_63, %dma_start3A_64] : memref<128x128xf32, #tpu.memory_space<vmem>> -> memref<128x128xf32, #tpu.memory_space<vmem>>
      %dma_start3A_66 = arith.constant 0 : i32
      %dma_start3A_67 = tpu.memref_slice %arg9[%add3A_27, %dma_start3A_66] : memref<10112x128xf32, #tpu.memory_space<vmem_shared>> -> memref<128x128xf32, #tpu.memory_space<vmem_shared>>
      tpu.enqueue_dma source(%dma_start3A_67 : memref<128x128xf32, #tpu.memory_space<vmem_shared>>) target(%dma_start3A_65 : memref<128x128xf32, #tpu.memory_space<vmem>>) target_semaphore(%run_scoped3A : memref<!tpu.dma_semaphore, #tpu.memory_space<semaphore_mem>>)
      %dma_wait3A = arith.constant 0 : i32
      %dma_wait3A_68 = arith.constant 0 : i32
      %dma_wait3A_69 = tpu.memref_slice %arg7[%dma_wait3A, %dma_wait3A_68] : memref<128x128xf32, #tpu.memory_space<vmem>> -> memref<128x128xf32, #tpu.memory_space<vmem>>
      %dma_wait3A_70 = arith.constant 0 : i32
      %dma_wait3A_71 = tpu.memref_slice %arg9[%add3A_27, %dma_wait3A_70] : memref<10112x128xf32, #tpu.memory_space<vmem_shared>> -> memref<128x128xf32, #tpu.memory_space<vmem_shared>>
      %dma_wait3A_72 = arith.constant 0 : i32
      %dma_wait3A_73 = arith.constant 0 : i32
      %dma_wait3A_74 = tpu.memref_slice %arg7[%dma_wait3A_72, %dma_wait3A_73] : memref<128x128xf32, #tpu.memory_space<vmem>> -> memref<128x128xf32, #tpu.memory_space<vmem>>
      %dma_wait3A_75 = arith.constant 0 : i32
      %dma_wait3A_76 = tpu.memref_slice %arg9[%add3A_27, %dma_wait3A_75] : memref<10112x128xf32, #tpu.memory_space<vmem_shared>> -> memref<128x128xf32, #tpu.memory_space<vmem_shared>>
      tpu.wait_dma2 semaphore(%run_scoped3A : memref<!tpu.dma_semaphore, #tpu.memory_space<semaphore_mem>>) src(%dma_wait3A_76 : memref<128x128xf32, #tpu.memory_space<vmem_shared>>) dst(%dma_wait3A_74 : memref<128x128xf32, #tpu.memory_space<vmem>>)
      tpu.yield
    }) : () -> ()
    %mul3A_28 = arith.constant 10112 : i32
    %mul3A_29 = arith.muli %arg0, %mul3A_28 : i32
    %add3A_30 = arith.addi %mul3A_29, %add3A_27 : i32
    "tpu.region"() ({
      %run_scoped3A = tpu.sem_alloc : memref<!tpu.dma_semaphore, #tpu.memory_space<semaphore_mem>>
      %dma_start3A = arith.constant 0 : i32
      %dma_start3A_59 = arith.constant 0 : i32
      %dma_start3A_60 = tpu.memref_slice %arg7[%dma_start3A, %dma_start3A_59] : memref<128x128xf32, #tpu.memory_space<vmem>> -> memref<128x128xf32, #tpu.memory_space<vmem>>
      %dma_start3A_61 = arith.constant 0 : i32
      %dma_start3A_62 = tpu.memref_slice %arg5[%add3A_30, %dma_start3A_61] : memref<20224x128xf32, #tpu.memory_space<hbm>> -> memref<128x128xf32, #tpu.memory_space<hbm>>
      %dma_start3A_63 = arith.constant 0 : i32
      %dma_start3A_64 = tpu.memref_slice %arg5[%add3A_30, %dma_start3A_63] : memref<20224x128xf32, #tpu.memory_space<hbm>> -> memref<128x128xf32, #tpu.memory_space<hbm>>
      %dma_start3A_65 = arith.constant 0 : i32
      %dma_start3A_66 = arith.constant 0 : i32
      %dma_start3A_67 = tpu.memref_slice %arg7[%dma_start3A_65, %dma_start3A_66] : memref<128x128xf32, #tpu.memory_space<vmem>> -> memref<128x128xf32, #tpu.memory_space<vmem>>
      tpu.enqueue_dma source(%dma_start3A_67 : memref<128x128xf32, #tpu.memory_space<vmem>>) target(%dma_start3A_64 : memref<128x128xf32, #tpu.memory_space<hbm>>) target_semaphore(%run_scoped3A : memref<!tpu.dma_semaphore, #tpu.memory_space<semaphore_mem>>)
      %dma_wait3A = arith.constant 0 : i32
      %dma_wait3A_68 = arith.constant 0 : i32
      %dma_wait3A_69 = tpu.memref_slice %arg7[%dma_wait3A, %dma_wait3A_68] : memref<128x128xf32, #tpu.memory_space<vmem>> -> memref<128x128xf32, #tpu.memory_space<vmem>>
      %dma_wait3A_70 = arith.constant 0 : i32
      %dma_wait3A_71 = tpu.memref_slice %arg5[%add3A_30, %dma_wait3A_70] : memref<20224x128xf32, #tpu.memory_space<hbm>> -> memref<128x128xf32, #tpu.memory_space<hbm>>
      %dma_wait3A_72 = arith.constant 0 : i32
      %dma_wait3A_73 = tpu.memref_slice %arg5[%add3A_30, %dma_wait3A_72] : memref<20224x128xf32, #tpu.memory_space<hbm>> -> memref<128x128xf32, #tpu.memory_space<hbm>>
      %dma_wait3A_74 = arith.constant 0 : i32
      %dma_wait3A_75 = arith.constant 0 : i32
      %dma_wait3A_76 = tpu.memref_slice %arg7[%dma_wait3A_74, %dma_wait3A_75] : memref<128x128xf32, #tpu.memory_space<vmem>> -> memref<128x128xf32, #tpu.memory_space<vmem>>
      tpu.wait_dma2 semaphore(%run_scoped3A : memref<!tpu.dma_semaphore, #tpu.memory_space<semaphore_mem>>) src(%dma_wait3A_76 : memref<128x128xf32, #tpu.memory_space<vmem>>) dst(%dma_wait3A_73 : memref<128x128xf32, #tpu.memory_space<hbm>>)
      tpu.yield
    }) : () -> ()
    %mul3A_31 = arith.constant 632 : i32
    %mul3A_32 = arith.muli %arg1, %mul3A_31 : i32
    %add3A_33 = arith.constant 128 : i32
    %add3A_34 = arith.addi %mul3A_32, %add3A_33 : i32
    "tpu.region"() ({
      %run_scoped3A = tpu.sem_alloc : memref<!tpu.dma_semaphore, #tpu.memory_space<semaphore_mem>>
      %dma_start3A = arith.constant 0 : i32
      %dma_start3A_59 = arith.constant 0 : i32
      %dma_start3A_60 = tpu.memref_slice %arg7[%dma_start3A, %dma_start3A_59] : memref<128x128xf32, #tpu.memory_space<vmem>> -> memref<128x128xf32, #tpu.memory_space<vmem>>
      %dma_start3A_61 = arith.constant 0 : i32
      %dma_start3A_62 = tpu.memref_slice %arg9[%add3A_34, %dma_start3A_61] : memref<10112x128xf32, #tpu.memory_space<vmem_shared>> -> memref<128x128xf32, #tpu.memory_space<vmem_shared>>
      %dma_start3A_63 = arith.constant 0 : i32
      %dma_start3A_64 = arith.constant 0 : i32
      %dma_start3A_65 = tpu.memref_slice %arg7[%dma_start3A_63, %dma_start3A_64] : memref<128x128xf32, #tpu.memory_space<vmem>> -> memref<128x128xf32, #tpu.memory_space<vmem>>
      %dma_start3A_66 = arith.constant 0 : i32
      %dma_start3A_67 = tpu.memref_slice %arg9[%add3A_34, %dma_start3A_66] : memref<10112x128xf32, #tpu.memory_space<vmem_shared>> -> memref<128x128xf32, #tpu.memory_space<vmem_shared>>
      tpu.enqueue_dma source(%dma_start3A_67 : memref<128x128xf32, #tpu.memory_space<vmem_shared>>) target(%dma_start3A_65 : memref<128x128xf32, #tpu.memory_space<vmem>>) target_semaphore(%run_scoped3A : memref<!tpu.dma_semaphore, #tpu.memory_space<semaphore_mem>>)
      %dma_wait3A = arith.constant 0 : i32
      %dma_wait3A_68 = arith.constant 0 : i32
      %dma_wait3A_69 = tpu.memref_slice %arg7[%dma_wait3A, %dma_wait3A_68] : memref<128x128xf32, #tpu.memory_space<vmem>> -> memref<128x128xf32, #tpu.memory_space<vmem>>
      %dma_wait3A_70 = arith.constant 0 : i32
      %dma_wait3A_71 = tpu.memref_slice %arg9[%add3A_34, %dma_wait3A_70] : memref<10112x128xf32, #tpu.memory_space<vmem_shared>> -> memref<128x128xf32, #tpu.memory_space<vmem_shared>>
      %dma_wait3A_72 = arith.constant 0 : i32
      %dma_wait3A_73 = arith.constant 0 : i32
      %dma_wait3A_74 = tpu.memref_slice %arg7[%dma_wait3A_72, %dma_wait3A_73] : memref<128x128xf32, #tpu.memory_space<vmem>> -> memref<128x128xf32, #tpu.memory_space<vmem>>
      %dma_wait3A_75 = arith.constant 0 : i32
      %dma_wait3A_76 = tpu.memref_slice %arg9[%add3A_34, %dma_wait3A_75] : memref<10112x128xf32, #tpu.memory_space<vmem_shared>> -> memref<128x128xf32, #tpu.memory_space<vmem_shared>>
      tpu.wait_dma2 semaphore(%run_scoped3A : memref<!tpu.dma_semaphore, #tpu.memory_space<semaphore_mem>>) src(%dma_wait3A_76 : memref<128x128xf32, #tpu.memory_space<vmem_shared>>) dst(%dma_wait3A_74 : memref<128x128xf32, #tpu.memory_space<vmem>>)
      tpu.yield
    }) : () -> ()
    %mul3A_35 = arith.constant 10112 : i32
    %mul3A_36 = arith.muli %arg0, %mul3A_35 : i32
    %add3A_37 = arith.addi %mul3A_36, %add3A_34 : i32
    "tpu.region"() ({
      %run_scoped3A = tpu.sem_alloc : memref<!tpu.dma_semaphore, #tpu.memory_space<semaphore_mem>>
      %dma_start3A = arith.constant 0 : i32
      %dma_start3A_59 = arith.constant 0 : i32
      %dma_start3A_60 = tpu.memref_slice %arg7[%dma_start3A, %dma_start3A_59] : memref<128x128xf32, #tpu.memory_space<vmem>> -> memref<128x128xf32, #tpu.memory_space<vmem>>
      %dma_start3A_61 = arith.constant 0 : i32
      %dma_start3A_62 = tpu.memref_slice %arg5[%add3A_37, %dma_start3A_61] : memref<20224x128xf32, #tpu.memory_space<hbm>> -> memref<128x128xf32, #tpu.memory_space<hbm>>
      %dma_start3A_63 = arith.constant 0 : i32
      %dma_start3A_64 = tpu.memref_slice %arg5[%add3A_37, %dma_start3A_63] : memref<20224x128xf32, #tpu.memory_space<hbm>> -> memref<128x128xf32, #tpu.memory_space<hbm>>
      %dma_start3A_65 = arith.constant 0 : i32
      %dma_start3A_66 = arith.constant 0 : i32
      %dma_start3A_67 = tpu.memref_slice %arg7[%dma_start3A_65, %dma_start3A_66] : memref<128x128xf32, #tpu.memory_space<vmem>> -> memref<128x128xf32, #tpu.memory_space<vmem>>
      tpu.enqueue_dma source(%dma_start3A_67 : memref<128x128xf32, #tpu.memory_space<vmem>>) target(%dma_start3A_64 : memref<128x128xf32, #tpu.memory_space<hbm>>) target_semaphore(%run_scoped3A : memref<!tpu.dma_semaphore, #tpu.memory_space<semaphore_mem>>)
      %dma_wait3A = arith.constant 0 : i32
      %dma_wait3A_68 = arith.constant 0 : i32
      %dma_wait3A_69 = tpu.memref_slice %arg7[%dma_wait3A, %dma_wait3A_68] : memref<128x128xf32, #tpu.memory_space<vmem>> -> memref<128x128xf32, #tpu.memory_space<vmem>>
      %dma_wait3A_70 = arith.constant 0 : i32
      %dma_wait3A_71 = tpu.memref_slice %arg5[%add3A_37, %dma_wait3A_70] : memref<20224x128xf32, #tpu.memory_space<hbm>> -> memref<128x128xf32, #tpu.memory_space<hbm>>
      %dma_wait3A_72 = arith.constant 0 : i32
      %dma_wait3A_73 = tpu.memref_slice %arg5[%add3A_37, %dma_wait3A_72] : memref<20224x128xf32, #tpu.memory_space<hbm>> -> memref<128x128xf32, #tpu.memory_space<hbm>>
      %dma_wait3A_74 = arith.constant 0 : i32
      %dma_wait3A_75 = arith.constant 0 : i32
      %dma_wait3A_76 = tpu.memref_slice %arg7[%dma_wait3A_74, %dma_wait3A_75] : memref<128x128xf32, #tpu.memory_space<vmem>> -> memref<128x128xf32, #tpu.memory_space<vmem>>
      tpu.wait_dma2 semaphore(%run_scoped3A : memref<!tpu.dma_semaphore, #tpu.memory_space<semaphore_mem>>) src(%dma_wait3A_76 : memref<128x128xf32, #tpu.memory_space<vmem>>) dst(%dma_wait3A_73 : memref<128x128xf32, #tpu.memory_space<hbm>>)
      tpu.yield
    }) : () -> ()
    %mul3A_38 = arith.constant 632 : i32
    %mul3A_39 = arith.muli %arg1, %mul3A_38 : i32
    %add3A_40 = arith.constant 256 : i32
    %add3A_41 = arith.addi %mul3A_39, %add3A_40 : i32
    "tpu.region"() ({
      %run_scoped3A = tpu.sem_alloc : memref<!tpu.dma_semaphore, #tpu.memory_space<semaphore_mem>>
      %dma_start3A = arith.constant 0 : i32
      %dma_start3A_59 = arith.constant 0 : i32
      %dma_start3A_60 = tpu.memref_slice %arg7[%dma_start3A, %dma_start3A_59] : memref<128x128xf32, #tpu.memory_space<vmem>> -> memref<128x128xf32, #tpu.memory_space<vmem>>
      %dma_start3A_61 = arith.constant 0 : i32
      %dma_start3A_62 = tpu.memref_slice %arg9[%add3A_41, %dma_start3A_61] : memref<10112x128xf32, #tpu.memory_space<vmem_shared>> -> memref<128x128xf32, #tpu.memory_space<vmem_shared>>
      %dma_start3A_63 = arith.constant 0 : i32
      %dma_start3A_64 = arith.constant 0 : i32
      %dma_start3A_65 = tpu.memref_slice %arg7[%dma_start3A_63, %dma_start3A_64] : memref<128x128xf32, #tpu.memory_space<vmem>> -> memref<128x128xf32, #tpu.memory_space<vmem>>
      %dma_start3A_66 = arith.constant 0 : i32
      %dma_start3A_67 = tpu.memref_slice %arg9[%add3A_41, %dma_start3A_66] : memref<10112x128xf32, #tpu.memory_space<vmem_shared>> -> memref<128x128xf32, #tpu.memory_space<vmem_shared>>
      tpu.enqueue_dma source(%dma_start3A_67 : memref<128x128xf32, #tpu.memory_space<vmem_shared>>) target(%dma_start3A_65 : memref<128x128xf32, #tpu.memory_space<vmem>>) target_semaphore(%run_scoped3A : memref<!tpu.dma_semaphore, #tpu.memory_space<semaphore_mem>>)
      %dma_wait3A = arith.constant 0 : i32
      %dma_wait3A_68 = arith.constant 0 : i32
      %dma_wait3A_69 = tpu.memref_slice %arg7[%dma_wait3A, %dma_wait3A_68] : memref<128x128xf32, #tpu.memory_space<vmem>> -> memref<128x128xf32, #tpu.memory_space<vmem>>
      %dma_wait3A_70 = arith.constant 0 : i32
      %dma_wait3A_71 = tpu.memref_slice %arg9[%add3A_41, %dma_wait3A_70] : memref<10112x128xf32, #tpu.memory_space<vmem_shared>> -> memref<128x128xf32, #tpu.memory_space<vmem_shared>>
      %dma_wait3A_72 = arith.constant 0 : i32
      %dma_wait3A_73 = arith.constant 0 : i32
      %dma_wait3A_74 = tpu.memref_slice %arg7[%dma_wait3A_72, %dma_wait3A_73] : memref<128x128xf32, #tpu.memory_space<vmem>> -> memref<128x128xf32, #tpu.memory_space<vmem>>
      %dma_wait3A_75 = arith.constant 0 : i32
      %dma_wait3A_76 = tpu.memref_slice %arg9[%add3A_41, %dma_wait3A_75] : memref<10112x128xf32, #tpu.memory_space<vmem_shared>> -> memref<128x128xf32, #tpu.memory_space<vmem_shared>>
      tpu.wait_dma2 semaphore(%run_scoped3A : memref<!tpu.dma_semaphore, #tpu.memory_space<semaphore_mem>>) src(%dma_wait3A_76 : memref<128x128xf32, #tpu.memory_space<vmem_shared>>) dst(%dma_wait3A_74 : memref<128x128xf32, #tpu.memory_space<vmem>>)
      tpu.yield
    }) : () -> ()
    %mul3A_42 = arith.constant 10112 : i32
    %mul3A_43 = arith.muli %arg0, %mul3A_42 : i32
    %add3A_44 = arith.addi %mul3A_43, %add3A_41 : i32
    "tpu.region"() ({
      %run_scoped3A = tpu.sem_alloc : memref<!tpu.dma_semaphore, #tpu.memory_space<semaphore_mem>>
      %dma_start3A = arith.constant 0 : i32
      %dma_start3A_59 = arith.constant 0 : i32
      %dma_start3A_60 = tpu.memref_slice %arg7[%dma_start3A, %dma_start3A_59] : memref<128x128xf32, #tpu.memory_space<vmem>> -> memref<128x128xf32, #tpu.memory_space<vmem>>
      %dma_start3A_61 = arith.constant 0 : i32
      %dma_start3A_62 = tpu.memref_slice %arg5[%add3A_44, %dma_start3A_61] : memref<20224x128xf32, #tpu.memory_space<hbm>> -> memref<128x128xf32, #tpu.memory_space<hbm>>
      %dma_start3A_63 = arith.constant 0 : i32
      %dma_start3A_64 = tpu.memref_slice %arg5[%add3A_44, %dma_start3A_63] : memref<20224x128xf32, #tpu.memory_space<hbm>> -> memref<128x128xf32, #tpu.memory_space<hbm>>
      %dma_start3A_65 = arith.constant 0 : i32
      %dma_start3A_66 = arith.constant 0 : i32
      %dma_start3A_67 = tpu.memref_slice %arg7[%dma_start3A_65, %dma_start3A_66] : memref<128x128xf32, #tpu.memory_space<vmem>> -> memref<128x128xf32, #tpu.memory_space<vmem>>
      tpu.enqueue_dma source(%dma_start3A_67 : memref<128x128xf32, #tpu.memory_space<vmem>>) target(%dma_start3A_64 : memref<128x128xf32, #tpu.memory_space<hbm>>) target_semaphore(%run_scoped3A : memref<!tpu.dma_semaphore, #tpu.memory_space<semaphore_mem>>)
      %dma_wait3A = arith.constant 0 : i32
      %dma_wait3A_68 = arith.constant 0 : i32
      %dma_wait3A_69 = tpu.memref_slice %arg7[%dma_wait3A, %dma_wait3A_68] : memref<128x128xf32, #tpu.memory_space<vmem>> -> memref<128x128xf32, #tpu.memory_space<vmem>>
      %dma_wait3A_70 = arith.constant 0 : i32
      %dma_wait3A_71 = tpu.memref_slice %arg5[%add3A_44, %dma_wait3A_70] : memref<20224x128xf32, #tpu.memory_space<hbm>> -> memref<128x128xf32, #tpu.memory_space<hbm>>
      %dma_wait3A_72 = arith.constant 0 : i32
      %dma_wait3A_73 = tpu.memref_slice %arg5[%add3A_44, %dma_wait3A_72] : memref<20224x128xf32, #tpu.memory_space<hbm>> -> memref<128x128xf32, #tpu.memory_space<hbm>>
      %dma_wait3A_74 = arith.constant 0 : i32
      %dma_wait3A_75 = arith.constant 0 : i32
      %dma_wait3A_76 = tpu.memref_slice %arg7[%dma_wait3A_74, %dma_wait3A_75] : memref<128x128xf32, #tpu.memory_space<vmem>> -> memref<128x128xf32, #tpu.memory_space<vmem>>
      tpu.wait_dma2 semaphore(%run_scoped3A : memref<!tpu.dma_semaphore, #tpu.memory_space<semaphore_mem>>) src(%dma_wait3A_76 : memref<128x128xf32, #tpu.memory_space<vmem>>) dst(%dma_wait3A_73 : memref<128x128xf32, #tpu.memory_space<hbm>>)
      tpu.yield
    }) : () -> ()
    %mul3A_45 = arith.constant 632 : i32
    %mul3A_46 = arith.muli %arg1, %mul3A_45 : i32
    %add3A_47 = arith.constant 384 : i32
    %add3A_48 = arith.addi %mul3A_46, %add3A_47 : i32
    "tpu.region"() ({
      %run_scoped3A = tpu.sem_alloc : memref<!tpu.dma_semaphore, #tpu.memory_space<semaphore_mem>>
      %dma_start3A = arith.constant 0 : i32
      %dma_start3A_59 = arith.constant 0 : i32
      %dma_start3A_60 = tpu.memref_slice %arg7[%dma_start3A, %dma_start3A_59] : memref<128x128xf32, #tpu.memory_space<vmem>> -> memref<128x128xf32, #tpu.memory_space<vmem>>
      %dma_start3A_61 = arith.constant 0 : i32
      %dma_start3A_62 = tpu.memref_slice %arg9[%add3A_48, %dma_start3A_61] : memref<10112x128xf32, #tpu.memory_space<vmem_shared>> -> memref<128x128xf32, #tpu.memory_space<vmem_shared>>
      %dma_start3A_63 = arith.constant 0 : i32
      %dma_start3A_64 = arith.constant 0 : i32
      %dma_start3A_65 = tpu.memref_slice %arg7[%dma_start3A_63, %dma_start3A_64] : memref<128x128xf32, #tpu.memory_space<vmem>> -> memref<128x128xf32, #tpu.memory_space<vmem>>
      %dma_start3A_66 = arith.constant 0 : i32
      %dma_start3A_67 = tpu.memref_slice %arg9[%add3A_48, %dma_start3A_66] : memref<10112x128xf32, #tpu.memory_space<vmem_shared>> -> memref<128x128xf32, #tpu.memory_space<vmem_shared>>
      tpu.enqueue_dma source(%dma_start3A_67 : memref<128x128xf32, #tpu.memory_space<vmem_shared>>) target(%dma_start3A_65 : memref<128x128xf32, #tpu.memory_space<vmem>>) target_semaphore(%run_scoped3A : memref<!tpu.dma_semaphore, #tpu.memory_space<semaphore_mem>>)
      %dma_wait3A = arith.constant 0 : i32
      %dma_wait3A_68 = arith.constant 0 : i32
      %dma_wait3A_69 = tpu.memref_slice %arg7[%dma_wait3A, %dma_wait3A_68] : memref<128x128xf32, #tpu.memory_space<vmem>> -> memref<128x128xf32, #tpu.memory_space<vmem>>
      %dma_wait3A_70 = arith.constant 0 : i32
      %dma_wait3A_71 = tpu.memref_slice %arg9[%add3A_48, %dma_wait3A_70] : memref<10112x128xf32, #tpu.memory_space<vmem_shared>> -> memref<128x128xf32, #tpu.memory_space<vmem_shared>>
      %dma_wait3A_72 = arith.constant 0 : i32
      %dma_wait3A_73 = arith.constant 0 : i32
      %dma_wait3A_74 = tpu.memref_slice %arg7[%dma_wait3A_72, %dma_wait3A_73] : memref<128x128xf32, #tpu.memory_space<vmem>> -> memref<128x128xf32, #tpu.memory_space<vmem>>
      %dma_wait3A_75 = arith.constant 0 : i32
      %dma_wait3A_76 = tpu.memref_slice %arg9[%add3A_48, %dma_wait3A_75] : memref<10112x128xf32, #tpu.memory_space<vmem_shared>> -> memref<128x128xf32, #tpu.memory_space<vmem_shared>>
      tpu.wait_dma2 semaphore(%run_scoped3A : memref<!tpu.dma_semaphore, #tpu.memory_space<semaphore_mem>>) src(%dma_wait3A_76 : memref<128x128xf32, #tpu.memory_space<vmem_shared>>) dst(%dma_wait3A_74 : memref<128x128xf32, #tpu.memory_space<vmem>>)
      tpu.yield
    }) : () -> ()
    %mul3A_49 = arith.constant 10112 : i32
    %mul3A_50 = arith.muli %arg0, %mul3A_49 : i32
    %add3A_51 = arith.addi %mul3A_50, %add3A_48 : i32
    "tpu.region"() ({
      %run_scoped3A = tpu.sem_alloc : memref<!tpu.dma_semaphore, #tpu.memory_space<semaphore_mem>>
      %dma_start3A = arith.constant 0 : i32
      %dma_start3A_59 = arith.constant 0 : i32
      %dma_start3A_60 = tpu.memref_slice %arg7[%dma_start3A, %dma_start3A_59] : memref<128x128xf32, #tpu.memory_space<vmem>> -> memref<128x128xf32, #tpu.memory_space<vmem>>
      %dma_start3A_61 = arith.constant 0 : i32
      %dma_start3A_62 = tpu.memref_slice %arg5[%add3A_51, %dma_start3A_61] : memref<20224x128xf32, #tpu.memory_space<hbm>> -> memref<128x128xf32, #tpu.memory_space<hbm>>
      %dma_start3A_63 = arith.constant 0 : i32
      %dma_start3A_64 = tpu.memref_slice %arg5[%add3A_51, %dma_start3A_63] : memref<20224x128xf32, #tpu.memory_space<hbm>> -> memref<128x128xf32, #tpu.memory_space<hbm>>
      %dma_start3A_65 = arith.constant 0 : i32
      %dma_start3A_66 = arith.constant 0 : i32
      %dma_start3A_67 = tpu.memref_slice %arg7[%dma_start3A_65, %dma_start3A_66] : memref<128x128xf32, #tpu.memory_space<vmem>> -> memref<128x128xf32, #tpu.memory_space<vmem>>
      tpu.enqueue_dma source(%dma_start3A_67 : memref<128x128xf32, #tpu.memory_space<vmem>>) target(%dma_start3A_64 : memref<128x128xf32, #tpu.memory_space<hbm>>) target_semaphore(%run_scoped3A : memref<!tpu.dma_semaphore, #tpu.memory_space<semaphore_mem>>)
      %dma_wait3A = arith.constant 0 : i32
      %dma_wait3A_68 = arith.constant 0 : i32
      %dma_wait3A_69 = tpu.memref_slice %arg7[%dma_wait3A, %dma_wait3A_68] : memref<128x128xf32, #tpu.memory_space<vmem>> -> memref<128x128xf32, #tpu.memory_space<vmem>>
      %dma_wait3A_70 = arith.constant 0 : i32
      %dma_wait3A_71 = tpu.memref_slice %arg5[%add3A_51, %dma_wait3A_70] : memref<20224x128xf32, #tpu.memory_space<hbm>> -> memref<128x128xf32, #tpu.memory_space<hbm>>
      %dma_wait3A_72 = arith.constant 0 : i32
      %dma_wait3A_73 = tpu.memref_slice %arg5[%add3A_51, %dma_wait3A_72] : memref<20224x128xf32, #tpu.memory_space<hbm>> -> memref<128x128xf32, #tpu.memory_space<hbm>>
      %dma_wait3A_74 = arith.constant 0 : i32
      %dma_wait3A_75 = arith.constant 0 : i32
      %dma_wait3A_76 = tpu.memref_slice %arg7[%dma_wait3A_74, %dma_wait3A_75] : memref<128x128xf32, #tpu.memory_space<vmem>> -> memref<128x128xf32, #tpu.memory_space<vmem>>
      tpu.wait_dma2 semaphore(%run_scoped3A : memref<!tpu.dma_semaphore, #tpu.memory_space<semaphore_mem>>) src(%dma_wait3A_76 : memref<128x128xf32, #tpu.memory_space<vmem>>) dst(%dma_wait3A_73 : memref<128x128xf32, #tpu.memory_space<hbm>>)
      tpu.yield
    }) : () -> ()
    %mul3A_52 = arith.constant 632 : i32
    %mul3A_53 = arith.muli %arg1, %mul3A_52 : i32
    %add3A_54 = arith.constant 512 : i32
    %add3A_55 = arith.addi %mul3A_53, %add3A_54 : i32
    "tpu.region"() ({
      %run_scoped3A = tpu.sem_alloc : memref<!tpu.dma_semaphore, #tpu.memory_space<semaphore_mem>>
      %dma_start3A = arith.constant 0 : i32
      %dma_start3A_59 = arith.constant 0 : i32
      %dma_start3A_60 = tpu.memref_slice %arg7[%dma_start3A, %dma_start3A_59] : memref<128x128xf32, #tpu.memory_space<vmem>> -> memref<120x128xf32, #tpu.memory_space<vmem>>
      %dma_start3A_61 = arith.constant 0 : i32
      %dma_start3A_62 = tpu.memref_slice %arg9[%add3A_55, %dma_start3A_61] : memref<10112x128xf32, #tpu.memory_space<vmem_shared>> -> memref<120x128xf32, #tpu.memory_space<vmem_shared>>
      %dma_start3A_63 = arith.constant 0 : i32
      %dma_start3A_64 = arith.constant 0 : i32
      %dma_start3A_65 = tpu.memref_slice %arg7[%dma_start3A_63, %dma_start3A_64] : memref<128x128xf32, #tpu.memory_space<vmem>> -> memref<120x128xf32, #tpu.memory_space<vmem>>
      %dma_start3A_66 = arith.constant 0 : i32
      %dma_start3A_67 = tpu.memref_slice %arg9[%add3A_55, %dma_start3A_66] : memref<10112x128xf32, #tpu.memory_space<vmem_shared>> -> memref<120x128xf32, #tpu.memory_space<vmem_shared>>
      tpu.enqueue_dma source(%dma_start3A_67 : memref<120x128xf32, #tpu.memory_space<vmem_shared>>) target(%dma_start3A_65 : memref<120x128xf32, #tpu.memory_space<vmem>>) target_semaphore(%run_scoped3A : memref<!tpu.dma_semaphore, #tpu.memory_space<semaphore_mem>>)
      %dma_wait3A = arith.constant 0 : i32
      %dma_wait3A_68 = arith.constant 0 : i32
      %dma_wait3A_69 = tpu.memref_slice %arg7[%dma_wait3A, %dma_wait3A_68] : memref<128x128xf32, #tpu.memory_space<vmem>> -> memref<120x128xf32, #tpu.memory_space<vmem>>
      %dma_wait3A_70 = arith.constant 0 : i32
      %dma_wait3A_71 = tpu.memref_slice %arg9[%add3A_55, %dma_wait3A_70] : memref<10112x128xf32, #tpu.memory_space<vmem_shared>> -> memref<120x128xf32, #tpu.memory_space<vmem_shared>>
      %dma_wait3A_72 = arith.constant 0 : i32
      %dma_wait3A_73 = arith.constant 0 : i32
      %dma_wait3A_74 = tpu.memref_slice %arg7[%dma_wait3A_72, %dma_wait3A_73] : memref<128x128xf32, #tpu.memory_space<vmem>> -> memref<120x128xf32, #tpu.memory_space<vmem>>
      %dma_wait3A_75 = arith.constant 0 : i32
      %dma_wait3A_76 = tpu.memref_slice %arg9[%add3A_55, %dma_wait3A_75] : memref<10112x128xf32, #tpu.memory_space<vmem_shared>> -> memref<120x128xf32, #tpu.memory_space<vmem_shared>>
      tpu.wait_dma2 semaphore(%run_scoped3A : memref<!tpu.dma_semaphore, #tpu.memory_space<semaphore_mem>>) src(%dma_wait3A_76 : memref<120x128xf32, #tpu.memory_space<vmem_shared>>) dst(%dma_wait3A_74 : memref<120x128xf32, #tpu.memory_space<vmem>>)
      tpu.yield
    }) : () -> ()
    %mul3A_56 = arith.constant 10112 : i32
    %mul3A_57 = arith.muli %arg0, %mul3A_56 : i32
    %add3A_58 = arith.addi %mul3A_57, %add3A_55 : i32
    "tpu.region"() ({
      %run_scoped3A = tpu.sem_alloc : memref<!tpu.dma_semaphore, #tpu.memory_space<semaphore_mem>>
      %dma_start3A = arith.constant 0 : i32
      %dma_start3A_59 = arith.constant 0 : i32
      %dma_start3A_60 = tpu.memref_slice %arg7[%dma_start3A, %dma_start3A_59] : memref<128x128xf32, #tpu.memory_space<vmem>> -> memref<120x128xf32, #tpu.memory_space<vmem>>
      %dma_start3A_61 = arith.constant 0 : i32
      %dma_start3A_62 = tpu.memref_slice %arg5[%add3A_58, %dma_start3A_61] : memref<20224x128xf32, #tpu.memory_space<hbm>> -> memref<120x128xf32, #tpu.memory_space<hbm>>
      %dma_start3A_63 = arith.constant 0 : i32
      %dma_start3A_64 = tpu.memref_slice %arg5[%add3A_58, %dma_start3A_63] : memref<20224x128xf32, #tpu.memory_space<hbm>> -> memref<120x128xf32, #tpu.memory_space<hbm>>
      %dma_start3A_65 = arith.constant 0 : i32
      %dma_start3A_66 = arith.constant 0 : i32
      %dma_start3A_67 = tpu.memref_slice %arg7[%dma_start3A_65, %dma_start3A_66] : memref<128x128xf32, #tpu.memory_space<vmem>> -> memref<120x128xf32, #tpu.memory_space<vmem>>
      tpu.enqueue_dma source(%dma_start3A_67 : memref<120x128xf32, #tpu.memory_space<vmem>>) target(%dma_start3A_64 : memref<120x128xf32, #tpu.memory_space<hbm>>) target_semaphore(%run_scoped3A : memref<!tpu.dma_semaphore, #tpu.memory_space<semaphore_mem>>)
      %dma_wait3A = arith.constant 0 : i32
      %dma_wait3A_68 = arith.constant 0 : i32
      %dma_wait3A_69 = tpu.memref_slice %arg7[%dma_wait3A, %dma_wait3A_68] : memref<128x128xf32, #tpu.memory_space<vmem>> -> memref<120x128xf32, #tpu.memory_space<vmem>>
      %dma_wait3A_70 = arith.constant 0 : i32
      %dma_wait3A_71 = tpu.memref_slice %arg5[%add3A_58, %dma_wait3A_70] : memref<20224x128xf32, #tpu.memory_space<hbm>> -> memref<120x128xf32, #tpu.memory_space<hbm>>
      %dma_wait3A_72 = arith.constant 0 : i32
      %dma_wait3A_73 = tpu.memref_slice %arg5[%add3A_58, %dma_wait3A_72] : memref<20224x128xf32, #tpu.memory_space<hbm>> -> memref<120x128xf32, #tpu.memory_space<hbm>>
      %dma_wait3A_74 = arith.constant 0 : i32
      %dma_wait3A_75 = arith.constant 0 : i32
      %dma_wait3A_76 = tpu.memref_slice %arg7[%dma_wait3A_74, %dma_wait3A_75] : memref<128x128xf32, #tpu.memory_space<vmem>> -> memref<120x128xf32, #tpu.memory_space<vmem>>
      tpu.wait_dma2 semaphore(%run_scoped3A : memref<!tpu.dma_semaphore, #tpu.memory_space<semaphore_mem>>) src(%dma_wait3A_76 : memref<120x128xf32, #tpu.memory_space<vmem>>) dst(%dma_wait3A_73 : memref<120x128xf32, #tpu.memory_space<hbm>>)
      tpu.yield
    }) : () -> ()
    return
  }
}

#map = affine_map<(d0, d1) -> (0, 0)>
module attributes {stable_mosaic.version = 14 : i64} {
  func.func @_sc_cnt_body(%arg0: i32, %arg1: i32, %arg2: memref<1280x128xi32, #tpu.memory_space<hbm>>, %arg3: memref<163840x128xf32, #tpu.memory_space<hbm>>, %arg4: memref<128x128xf32, #tpu.memory_space<hbm>>, %arg5: memref<20224x128xf32, #tpu.memory_space<hbm>>, %arg6: memref<20224x128xf32, #tpu.memory_space<hbm>>, %arg7: memref<128xi32, #tpu.memory_space<vmem>>, %arg8: memref<128x128xf32, #tpu.memory_space<vmem>>, %arg9: memref<10112x128xf32, #tpu.memory_space<vmem_shared>>, %arg10: memref<!tpu.dma_semaphore, #tpu.memory_space<semaphore_mem>>) attributes {dimension_semantics = [#tpu.dimension_semantics<core_parallel>, #tpu.dimension_semantics<subcore_parallel>], iteration_bounds = array<i64: 2, 16>, scalar_prefetch = 0 : i64, scratch_operands = 4 : i64, tpu.core_type = #tpu.core_type<sc_vector_subcore>, window_params = [{transform_indices = #map}, {transform_indices = #map}, {transform_indices = #map}, {transform_indices = #map}, {transform_indices = #map}]} {
    %mul3A = arith.constant 16 : i32
    %mul3A_0 = arith.muli %arg0, %mul3A : i32
    %add3A = arith.addi %mul3A_0, %arg1 : i32
    "tpu.region"() ({
      %run_scoped3A = tpu.sem_alloc : memref<!tpu.dma_semaphore, #tpu.memory_space<semaphore_mem>>
      tpu.enqueue_dma source(%arg4 : memref<128x128xf32, #tpu.memory_space<hbm>>) target(%arg8 : memref<128x128xf32, #tpu.memory_space<vmem>>) target_semaphore(%run_scoped3A : memref<!tpu.dma_semaphore, #tpu.memory_space<semaphore_mem>>)
      tpu.wait_dma2 semaphore(%run_scoped3A : memref<!tpu.dma_semaphore, #tpu.memory_space<semaphore_mem>>) src(%arg4 : memref<128x128xf32, #tpu.memory_space<hbm>>) dst(%arg8 : memref<128x128xf32, #tpu.memory_space<vmem>>)
      tpu.yield
    }) : () -> ()
    %mul3A_1 = arith.constant 632 : i32
    %mul3A_2 = arith.muli %arg1, %mul3A_1 : i32
    %add3A_3 = arith.constant 0 : i32
    %add3A_4 = arith.addi %mul3A_2, %add3A_3 : i32
    "tpu.region"() ({
      %run_scoped3A = tpu.sem_alloc : memref<!tpu.dma_semaphore, #tpu.memory_space<semaphore_mem>>
      %dma_start3A = arith.constant 0 : i32
      %dma_start3A_62 = arith.constant 0 : i32
      %dma_start3A_63 = tpu.memref_slice %arg8[%dma_start3A, %dma_start3A_62] : memref<128x128xf32, #tpu.memory_space<vmem>> -> memref<128x128xf32, #tpu.memory_space<vmem>>
      %dma_start3A_64 = arith.constant 0 : i32
      %dma_start3A_65 = tpu.memref_slice %arg9[%add3A_4, %dma_start3A_64] : memref<10112x128xf32, #tpu.memory_space<vmem_shared>> -> memref<128x128xf32, #tpu.memory_space<vmem_shared>>
      %dma_start3A_66 = arith.constant 0 : i32
      %dma_start3A_67 = tpu.memref_slice %arg9[%add3A_4, %dma_start3A_66] : memref<10112x128xf32, #tpu.memory_space<vmem_shared>> -> memref<128x128xf32, #tpu.memory_space<vmem_shared>>
      %dma_start3A_68 = arith.constant 0 : i32
      %dma_start3A_69 = arith.constant 0 : i32
      %dma_start3A_70 = tpu.memref_slice %arg8[%dma_start3A_68, %dma_start3A_69] : memref<128x128xf32, #tpu.memory_space<vmem>> -> memref<128x128xf32, #tpu.memory_space<vmem>>
      tpu.enqueue_dma source(%dma_start3A_70 : memref<128x128xf32, #tpu.memory_space<vmem>>) target(%dma_start3A_67 : memref<128x128xf32, #tpu.memory_space<vmem_shared>>) target_semaphore(%run_scoped3A : memref<!tpu.dma_semaphore, #tpu.memory_space<semaphore_mem>>)
      %dma_wait3A = arith.constant 0 : i32
      %dma_wait3A_71 = arith.constant 0 : i32
      %dma_wait3A_72 = tpu.memref_slice %arg8[%dma_wait3A, %dma_wait3A_71] : memref<128x128xf32, #tpu.memory_space<vmem>> -> memref<128x128xf32, #tpu.memory_space<vmem>>
      %dma_wait3A_73 = arith.constant 0 : i32
      %dma_wait3A_74 = tpu.memref_slice %arg9[%add3A_4, %dma_wait3A_73] : memref<10112x128xf32, #tpu.memory_space<vmem_shared>> -> memref<128x128xf32, #tpu.memory_space<vmem_shared>>
      %dma_wait3A_75 = arith.constant 0 : i32
      %dma_wait3A_76 = tpu.memref_slice %arg9[%add3A_4, %dma_wait3A_75] : memref<10112x128xf32, #tpu.memory_space<vmem_shared>> -> memref<128x128xf32, #tpu.memory_space<vmem_shared>>
      %dma_wait3A_77 = arith.constant 0 : i32
      %dma_wait3A_78 = arith.constant 0 : i32
      %dma_wait3A_79 = tpu.memref_slice %arg8[%dma_wait3A_77, %dma_wait3A_78] : memref<128x128xf32, #tpu.memory_space<vmem>> -> memref<128x128xf32, #tpu.memory_space<vmem>>
      tpu.wait_dma2 semaphore(%run_scoped3A : memref<!tpu.dma_semaphore, #tpu.memory_space<semaphore_mem>>) src(%dma_wait3A_79 : memref<128x128xf32, #tpu.memory_space<vmem>>) dst(%dma_wait3A_76 : memref<128x128xf32, #tpu.memory_space<vmem_shared>>)
      tpu.yield
    }) : () -> ()
    %mul3A_5 = arith.constant 632 : i32
    %mul3A_6 = arith.muli %arg1, %mul3A_5 : i32
    %add3A_7 = arith.constant 128 : i32
    %add3A_8 = arith.addi %mul3A_6, %add3A_7 : i32
    "tpu.region"() ({
      %run_scoped3A = tpu.sem_alloc : memref<!tpu.dma_semaphore, #tpu.memory_space<semaphore_mem>>
      %dma_start3A = arith.constant 0 : i32
      %dma_start3A_62 = arith.constant 0 : i32
      %dma_start3A_63 = tpu.memref_slice %arg8[%dma_start3A, %dma_start3A_62] : memref<128x128xf32, #tpu.memory_space<vmem>> -> memref<128x128xf32, #tpu.memory_space<vmem>>
      %dma_start3A_64 = arith.constant 0 : i32
      %dma_start3A_65 = tpu.memref_slice %arg9[%add3A_8, %dma_start3A_64] : memref<10112x128xf32, #tpu.memory_space<vmem_shared>> -> memref<128x128xf32, #tpu.memory_space<vmem_shared>>
      %dma_start3A_66 = arith.constant 0 : i32
      %dma_start3A_67 = tpu.memref_slice %arg9[%add3A_8, %dma_start3A_66] : memref<10112x128xf32, #tpu.memory_space<vmem_shared>> -> memref<128x128xf32, #tpu.memory_space<vmem_shared>>
      %dma_start3A_68 = arith.constant 0 : i32
      %dma_start3A_69 = arith.constant 0 : i32
      %dma_start3A_70 = tpu.memref_slice %arg8[%dma_start3A_68, %dma_start3A_69] : memref<128x128xf32, #tpu.memory_space<vmem>> -> memref<128x128xf32, #tpu.memory_space<vmem>>
      tpu.enqueue_dma source(%dma_start3A_70 : memref<128x128xf32, #tpu.memory_space<vmem>>) target(%dma_start3A_67 : memref<128x128xf32, #tpu.memory_space<vmem_shared>>) target_semaphore(%run_scoped3A : memref<!tpu.dma_semaphore, #tpu.memory_space<semaphore_mem>>)
      %dma_wait3A = arith.constant 0 : i32
      %dma_wait3A_71 = arith.constant 0 : i32
      %dma_wait3A_72 = tpu.memref_slice %arg8[%dma_wait3A, %dma_wait3A_71] : memref<128x128xf32, #tpu.memory_space<vmem>> -> memref<128x128xf32, #tpu.memory_space<vmem>>
      %dma_wait3A_73 = arith.constant 0 : i32
      %dma_wait3A_74 = tpu.memref_slice %arg9[%add3A_8, %dma_wait3A_73] : memref<10112x128xf32, #tpu.memory_space<vmem_shared>> -> memref<128x128xf32, #tpu.memory_space<vmem_shared>>
      %dma_wait3A_75 = arith.constant 0 : i32
      %dma_wait3A_76 = tpu.memref_slice %arg9[%add3A_8, %dma_wait3A_75] : memref<10112x128xf32, #tpu.memory_space<vmem_shared>> -> memref<128x128xf32, #tpu.memory_space<vmem_shared>>
      %dma_wait3A_77 = arith.constant 0 : i32
      %dma_wait3A_78 = arith.constant 0 : i32
      %dma_wait3A_79 = tpu.memref_slice %arg8[%dma_wait3A_77, %dma_wait3A_78] : memref<128x128xf32, #tpu.memory_space<vmem>> -> memref<128x128xf32, #tpu.memory_space<vmem>>
      tpu.wait_dma2 semaphore(%run_scoped3A : memref<!tpu.dma_semaphore, #tpu.memory_space<semaphore_mem>>) src(%dma_wait3A_79 : memref<128x128xf32, #tpu.memory_space<vmem>>) dst(%dma_wait3A_76 : memref<128x128xf32, #tpu.memory_space<vmem_shared>>)
      tpu.yield
    }) : () -> ()
    %mul3A_9 = arith.constant 632 : i32
    %mul3A_10 = arith.muli %arg1, %mul3A_9 : i32
    %add3A_11 = arith.constant 256 : i32
    %add3A_12 = arith.addi %mul3A_10, %add3A_11 : i32
    "tpu.region"() ({
      %run_scoped3A = tpu.sem_alloc : memref<!tpu.dma_semaphore, #tpu.memory_space<semaphore_mem>>
      %dma_start3A = arith.constant 0 : i32
      %dma_start3A_62 = arith.constant 0 : i32
      %dma_start3A_63 = tpu.memref_slice %arg8[%dma_start3A, %dma_start3A_62] : memref<128x128xf32, #tpu.memory_space<vmem>> -> memref<128x128xf32, #tpu.memory_space<vmem>>
      %dma_start3A_64 = arith.constant 0 : i32
      %dma_start3A_65 = tpu.memref_slice %arg9[%add3A_12, %dma_start3A_64] : memref<10112x128xf32, #tpu.memory_space<vmem_shared>> -> memref<128x128xf32, #tpu.memory_space<vmem_shared>>
      %dma_start3A_66 = arith.constant 0 : i32
      %dma_start3A_67 = tpu.memref_slice %arg9[%add3A_12, %dma_start3A_66] : memref<10112x128xf32, #tpu.memory_space<vmem_shared>> -> memref<128x128xf32, #tpu.memory_space<vmem_shared>>
      %dma_start3A_68 = arith.constant 0 : i32
      %dma_start3A_69 = arith.constant 0 : i32
      %dma_start3A_70 = tpu.memref_slice %arg8[%dma_start3A_68, %dma_start3A_69] : memref<128x128xf32, #tpu.memory_space<vmem>> -> memref<128x128xf32, #tpu.memory_space<vmem>>
      tpu.enqueue_dma source(%dma_start3A_70 : memref<128x128xf32, #tpu.memory_space<vmem>>) target(%dma_start3A_67 : memref<128x128xf32, #tpu.memory_space<vmem_shared>>) target_semaphore(%run_scoped3A : memref<!tpu.dma_semaphore, #tpu.memory_space<semaphore_mem>>)
      %dma_wait3A = arith.constant 0 : i32
      %dma_wait3A_71 = arith.constant 0 : i32
      %dma_wait3A_72 = tpu.memref_slice %arg8[%dma_wait3A, %dma_wait3A_71] : memref<128x128xf32, #tpu.memory_space<vmem>> -> memref<128x128xf32, #tpu.memory_space<vmem>>
      %dma_wait3A_73 = arith.constant 0 : i32
      %dma_wait3A_74 = tpu.memref_slice %arg9[%add3A_12, %dma_wait3A_73] : memref<10112x128xf32, #tpu.memory_space<vmem_shared>> -> memref<128x128xf32, #tpu.memory_space<vmem_shared>>
      %dma_wait3A_75 = arith.constant 0 : i32
      %dma_wait3A_76 = tpu.memref_slice %arg9[%add3A_12, %dma_wait3A_75] : memref<10112x128xf32, #tpu.memory_space<vmem_shared>> -> memref<128x128xf32, #tpu.memory_space<vmem_shared>>
      %dma_wait3A_77 = arith.constant 0 : i32
      %dma_wait3A_78 = arith.constant 0 : i32
      %dma_wait3A_79 = tpu.memref_slice %arg8[%dma_wait3A_77, %dma_wait3A_78] : memref<128x128xf32, #tpu.memory_space<vmem>> -> memref<128x128xf32, #tpu.memory_space<vmem>>
      tpu.wait_dma2 semaphore(%run_scoped3A : memref<!tpu.dma_semaphore, #tpu.memory_space<semaphore_mem>>) src(%dma_wait3A_79 : memref<128x128xf32, #tpu.memory_space<vmem>>) dst(%dma_wait3A_76 : memref<128x128xf32, #tpu.memory_space<vmem_shared>>)
      tpu.yield
    }) : () -> ()
    %mul3A_13 = arith.constant 632 : i32
    %mul3A_14 = arith.muli %arg1, %mul3A_13 : i32
    %add3A_15 = arith.constant 384 : i32
    %add3A_16 = arith.addi %mul3A_14, %add3A_15 : i32
    "tpu.region"() ({
      %run_scoped3A = tpu.sem_alloc : memref<!tpu.dma_semaphore, #tpu.memory_space<semaphore_mem>>
      %dma_start3A = arith.constant 0 : i32
      %dma_start3A_62 = arith.constant 0 : i32
      %dma_start3A_63 = tpu.memref_slice %arg8[%dma_start3A, %dma_start3A_62] : memref<128x128xf32, #tpu.memory_space<vmem>> -> memref<128x128xf32, #tpu.memory_space<vmem>>
      %dma_start3A_64 = arith.constant 0 : i32
      %dma_start3A_65 = tpu.memref_slice %arg9[%add3A_16, %dma_start3A_64] : memref<10112x128xf32, #tpu.memory_space<vmem_shared>> -> memref<128x128xf32, #tpu.memory_space<vmem_shared>>
      %dma_start3A_66 = arith.constant 0 : i32
      %dma_start3A_67 = tpu.memref_slice %arg9[%add3A_16, %dma_start3A_66] : memref<10112x128xf32, #tpu.memory_space<vmem_shared>> -> memref<128x128xf32, #tpu.memory_space<vmem_shared>>
      %dma_start3A_68 = arith.constant 0 : i32
      %dma_start3A_69 = arith.constant 0 : i32
      %dma_start3A_70 = tpu.memref_slice %arg8[%dma_start3A_68, %dma_start3A_69] : memref<128x128xf32, #tpu.memory_space<vmem>> -> memref<128x128xf32, #tpu.memory_space<vmem>>
      tpu.enqueue_dma source(%dma_start3A_70 : memref<128x128xf32, #tpu.memory_space<vmem>>) target(%dma_start3A_67 : memref<128x128xf32, #tpu.memory_space<vmem_shared>>) target_semaphore(%run_scoped3A : memref<!tpu.dma_semaphore, #tpu.memory_space<semaphore_mem>>)
      %dma_wait3A = arith.constant 0 : i32
      %dma_wait3A_71 = arith.constant 0 : i32
      %dma_wait3A_72 = tpu.memref_slice %arg8[%dma_wait3A, %dma_wait3A_71] : memref<128x128xf32, #tpu.memory_space<vmem>> -> memref<128x128xf32, #tpu.memory_space<vmem>>
      %dma_wait3A_73 = arith.constant 0 : i32
      %dma_wait3A_74 = tpu.memref_slice %arg9[%add3A_16, %dma_wait3A_73] : memref<10112x128xf32, #tpu.memory_space<vmem_shared>> -> memref<128x128xf32, #tpu.memory_space<vmem_shared>>
      %dma_wait3A_75 = arith.constant 0 : i32
      %dma_wait3A_76 = tpu.memref_slice %arg9[%add3A_16, %dma_wait3A_75] : memref<10112x128xf32, #tpu.memory_space<vmem_shared>> -> memref<128x128xf32, #tpu.memory_space<vmem_shared>>
      %dma_wait3A_77 = arith.constant 0 : i32
      %dma_wait3A_78 = arith.constant 0 : i32
      %dma_wait3A_79 = tpu.memref_slice %arg8[%dma_wait3A_77, %dma_wait3A_78] : memref<128x128xf32, #tpu.memory_space<vmem>> -> memref<128x128xf32, #tpu.memory_space<vmem>>
      tpu.wait_dma2 semaphore(%run_scoped3A : memref<!tpu.dma_semaphore, #tpu.memory_space<semaphore_mem>>) src(%dma_wait3A_79 : memref<128x128xf32, #tpu.memory_space<vmem>>) dst(%dma_wait3A_76 : memref<128x128xf32, #tpu.memory_space<vmem_shared>>)
      tpu.yield
    }) : () -> ()
    %mul3A_17 = arith.constant 632 : i32
    %mul3A_18 = arith.muli %arg1, %mul3A_17 : i32
    %add3A_19 = arith.constant 512 : i32
    %add3A_20 = arith.addi %mul3A_18, %add3A_19 : i32
    "tpu.region"() ({
      %run_scoped3A = tpu.sem_alloc : memref<!tpu.dma_semaphore, #tpu.memory_space<semaphore_mem>>
      %dma_start3A = arith.constant 0 : i32
      %dma_start3A_62 = arith.constant 0 : i32
      %dma_start3A_63 = tpu.memref_slice %arg8[%dma_start3A, %dma_start3A_62] : memref<128x128xf32, #tpu.memory_space<vmem>> -> memref<120x128xf32, #tpu.memory_space<vmem>>
      %dma_start3A_64 = arith.constant 0 : i32
      %dma_start3A_65 = tpu.memref_slice %arg9[%add3A_20, %dma_start3A_64] : memref<10112x128xf32, #tpu.memory_space<vmem_shared>> -> memref<120x128xf32, #tpu.memory_space<vmem_shared>>
      %dma_start3A_66 = arith.constant 0 : i32
      %dma_start3A_67 = tpu.memref_slice %arg9[%add3A_20, %dma_start3A_66] : memref<10112x128xf32, #tpu.memory_space<vmem_shared>> -> memref<120x128xf32, #tpu.memory_space<vmem_shared>>
      %dma_start3A_68 = arith.constant 0 : i32
      %dma_start3A_69 = arith.constant 0 : i32
      %dma_start3A_70 = tpu.memref_slice %arg8[%dma_start3A_68, %dma_start3A_69] : memref<128x128xf32, #tpu.memory_space<vmem>> -> memref<120x128xf32, #tpu.memory_space<vmem>>
      tpu.enqueue_dma source(%dma_start3A_70 : memref<120x128xf32, #tpu.memory_space<vmem>>) target(%dma_start3A_67 : memref<120x128xf32, #tpu.memory_space<vmem_shared>>) target_semaphore(%run_scoped3A : memref<!tpu.dma_semaphore, #tpu.memory_space<semaphore_mem>>)
      %dma_wait3A = arith.constant 0 : i32
      %dma_wait3A_71 = arith.constant 0 : i32
      %dma_wait3A_72 = tpu.memref_slice %arg8[%dma_wait3A, %dma_wait3A_71] : memref<128x128xf32, #tpu.memory_space<vmem>> -> memref<120x128xf32, #tpu.memory_space<vmem>>
      %dma_wait3A_73 = arith.constant 0 : i32
      %dma_wait3A_74 = tpu.memref_slice %arg9[%add3A_20, %dma_wait3A_73] : memref<10112x128xf32, #tpu.memory_space<vmem_shared>> -> memref<120x128xf32, #tpu.memory_space<vmem_shared>>
      %dma_wait3A_75 = arith.constant 0 : i32
      %dma_wait3A_76 = tpu.memref_slice %arg9[%add3A_20, %dma_wait3A_75] : memref<10112x128xf32, #tpu.memory_space<vmem_shared>> -> memref<120x128xf32, #tpu.memory_space<vmem_shared>>
      %dma_wait3A_77 = arith.constant 0 : i32
      %dma_wait3A_78 = arith.constant 0 : i32
      %dma_wait3A_79 = tpu.memref_slice %arg8[%dma_wait3A_77, %dma_wait3A_78] : memref<128x128xf32, #tpu.memory_space<vmem>> -> memref<120x128xf32, #tpu.memory_space<vmem>>
      tpu.wait_dma2 semaphore(%run_scoped3A : memref<!tpu.dma_semaphore, #tpu.memory_space<semaphore_mem>>) src(%dma_wait3A_79 : memref<120x128xf32, #tpu.memory_space<vmem>>) dst(%dma_wait3A_76 : memref<120x128xf32, #tpu.memory_space<vmem_shared>>)
      tpu.yield
    }) : () -> ()
    %barrier3A = arith.constant 0 : index
    tpu.barrier barrier_id(%barrier3A)
    %scan3A = arith.constant 0 : i32
    %scan3A_21 = arith.constant 0 : i32
    %scan3A_22 = arith.constant 40 : i32
    %scan3A_23 = arith.addi %scan3A_21, %scan3A_22 : i32
    %scan3A_24 = arith.constant 1 : i32
    scf.for %scan3A_62 = %scan3A_21 to %scan3A_23 step %scan3A_24  : i32 {
      %mul3A_63 = arith.constant 40 : i32
      %mul3A_64 = arith.muli %add3A, %mul3A_63 : i32
      %add3A_65 = arith.addi %mul3A_64, %scan3A_62 : i32
      "tpu.region"() ({
        %run_scoped3A = tpu.sem_alloc : memref<!tpu.dma_semaphore, #tpu.memory_space<semaphore_mem>>
        %dma_start3A = arith.constant 0 : i32
        %dma_start3A_71 = tpu.memref_slice %arg2[%add3A_65, %dma_start3A] : memref<1280x128xi32, #tpu.memory_space<hbm>> -> memref<1x128xi32, #tpu.memory_space<hbm>>
        %dma_start3A_72 = tpu.memref_squeeze %dma_start3A_71 : memref<1x128xi32, #tpu.memory_space<hbm>> -> memref<128xi32, #tpu.memory_space<hbm>>
        %dma_start3A_73 = arith.constant 0 : i32
        %dma_start3A_74 = tpu.memref_slice %arg2[%add3A_65, %dma_start3A_73] : memref<1280x128xi32, #tpu.memory_space<hbm>> -> memref<1x128xi32, #tpu.memory_space<hbm>>
        %dma_start3A_75 = tpu.memref_squeeze %dma_start3A_74 : memref<1x128xi32, #tpu.memory_space<hbm>> -> memref<128xi32, #tpu.memory_space<hbm>>
        tpu.enqueue_dma source(%dma_start3A_75 : memref<128xi32, #tpu.memory_space<hbm>>) target(%arg7 : memref<128xi32, #tpu.memory_space<vmem>>) target_semaphore(%run_scoped3A : memref<!tpu.dma_semaphore, #tpu.memory_space<semaphore_mem>>)
        %dma_wait3A = arith.constant 0 : i32
        %dma_wait3A_76 = tpu.memref_slice %arg2[%add3A_65, %dma_wait3A] : memref<1280x128xi32, #tpu.memory_space<hbm>> -> memref<1x128xi32, #tpu.memory_space<hbm>>
        %dma_wait3A_77 = tpu.memref_squeeze %dma_wait3A_76 : memref<1x128xi32, #tpu.memory_space<hbm>> -> memref<128xi32, #tpu.memory_space<hbm>>
        %dma_wait3A_78 = arith.constant 0 : i32
        %dma_wait3A_79 = tpu.memref_slice %arg2[%add3A_65, %dma_wait3A_78] : memref<1280x128xi32, #tpu.memory_space<hbm>> -> memref<1x128xi32, #tpu.memory_space<hbm>>
        %dma_wait3A_80 = tpu.memref_squeeze %dma_wait3A_79 : memref<1x128xi32, #tpu.memory_space<hbm>> -> memref<128xi32, #tpu.memory_space<hbm>>
        tpu.wait_dma2 semaphore(%run_scoped3A : memref<!tpu.dma_semaphore, #tpu.memory_space<semaphore_mem>>) src(%dma_wait3A_80 : memref<128xi32, #tpu.memory_space<hbm>>) dst(%arg7 : memref<128xi32, #tpu.memory_space<vmem>>)
        tpu.yield
      }) : () -> ()
      %mul3A_66 = arith.constant 40 : i32
      %mul3A_67 = arith.muli %add3A, %mul3A_66 : i32
      %add3A_68 = arith.addi %mul3A_67, %scan3A_62 : i32
      %mul3A_69 = arith.constant 128 : i32
      %mul3A_70 = arith.muli %add3A_68, %mul3A_69 : i32
      "tpu.region"() ({
        %run_scoped3A = tpu.sem_alloc : memref<!tpu.dma_semaphore, #tpu.memory_space<semaphore_mem>>
        %dma_start3A = arith.constant 0 : i32
        %dma_start3A_71 = tpu.memref_slice %arg3[%mul3A_70, %dma_start3A] : memref<163840x128xf32, #tpu.memory_space<hbm>> -> memref<128x128xf32, #tpu.memory_space<hbm>>
        %dma_start3A_72 = arith.constant 0 : i32
        %dma_start3A_73 = tpu.memref_slice %arg3[%mul3A_70, %dma_start3A_72] : memref<163840x128xf32, #tpu.memory_space<hbm>> -> memref<128x128xf32, #tpu.memory_space<hbm>>
        tpu.enqueue_dma source(%dma_start3A_73 : memref<128x128xf32, #tpu.memory_space<hbm>>) target(%arg8 : memref<128x128xf32, #tpu.memory_space<vmem>>) target_semaphore(%run_scoped3A : memref<!tpu.dma_semaphore, #tpu.memory_space<semaphore_mem>>)
        %dma_wait3A = arith.constant 0 : i32
        %dma_wait3A_74 = tpu.memref_slice %arg3[%mul3A_70, %dma_wait3A] : memref<163840x128xf32, #tpu.memory_space<hbm>> -> memref<128x128xf32, #tpu.memory_space<hbm>>
        %dma_wait3A_75 = arith.constant 0 : i32
        %dma_wait3A_76 = tpu.memref_slice %arg3[%mul3A_70, %dma_wait3A_75] : memref<163840x128xf32, #tpu.memory_space<hbm>> -> memref<128x128xf32, #tpu.memory_space<hbm>>
        tpu.wait_dma2 semaphore(%run_scoped3A : memref<!tpu.dma_semaphore, #tpu.memory_space<semaphore_mem>>) src(%dma_wait3A_76 : memref<128x128xf32, #tpu.memory_space<hbm>>) dst(%arg8 : memref<128x128xf32, #tpu.memory_space<vmem>>)
        tpu.yield
      }) : () -> ()
      "tpu.region"() ({
        %run_scoped3A = tpu.sem_alloc : memref<!tpu.dma_semaphore, #tpu.memory_space<semaphore_mem>>
        %dma_start3A = arith.constant 0 : i32
        %dma_start3A_71 = arith.constant 0 : i32
        %dma_start3A_72 = tpu.memref_slice %arg9[%dma_start3A, %dma_start3A_71] : memref<10112x128xf32, #tpu.memory_space<vmem_shared>> -> memref<10112x128xf32, #tpu.memory_space<vmem_shared>>
        tpu.enqueue_indirect_dma source(%arg8 : memref<128x128xf32, #tpu.memory_space<vmem>>) target(%dma_start3A_72 : memref<10112x128xf32, #tpu.memory_space<vmem_shared>>) offsets(%arg7 : memref<128xi32, #tpu.memory_space<vmem>>) semaphore(%run_scoped3A : memref<!tpu.dma_semaphore, #tpu.memory_space<semaphore_mem>>) {add = true}
        %dma_wait3A = arith.constant 0 : i32
        %dma_wait3A_73 = arith.constant 0 : i32
        %dma_wait3A_74 = tpu.memref_slice %arg9[%dma_wait3A, %dma_wait3A_73] : memref<10112x128xf32, #tpu.memory_space<vmem_shared>> -> memref<10112x128xf32, #tpu.memory_space<vmem_shared>>
        tpu.wait_indirect_dma semaphore(%run_scoped3A : memref<!tpu.dma_semaphore, #tpu.memory_space<semaphore_mem>>) src(%arg8 : memref<128x128xf32, #tpu.memory_space<vmem>>) dst(%dma_wait3A_74 : memref<10112x128xf32, #tpu.memory_space<vmem_shared>>)
        tpu.yield
      }) : () -> ()
    }
    %scan3A_25 = arith.constant 40 : i32
    %barrier3A_26 = arith.constant 0 : index
    tpu.barrier barrier_id(%barrier3A_26)
    %mul3A_27 = arith.constant 632 : i32
    %mul3A_28 = arith.muli %arg1, %mul3A_27 : i32
    %add3A_29 = arith.constant 0 : i32
    %add3A_30 = arith.addi %mul3A_28, %add3A_29 : i32
    "tpu.region"() ({
      %run_scoped3A = tpu.sem_alloc : memref<!tpu.dma_semaphore, #tpu.memory_space<semaphore_mem>>
      %dma_start3A = arith.constant 0 : i32
      %dma_start3A_62 = arith.constant 0 : i32
      %dma_start3A_63 = tpu.memref_slice %arg8[%dma_start3A, %dma_start3A_62] : memref<128x128xf32, #tpu.memory_space<vmem>> -> memref<128x128xf32, #tpu.memory_space<vmem>>
      %dma_start3A_64 = arith.constant 0 : i32
      %dma_start3A_65 = tpu.memref_slice %arg9[%add3A_30, %dma_start3A_64] : memref<10112x128xf32, #tpu.memory_space<vmem_shared>> -> memref<128x128xf32, #tpu.memory_space<vmem_shared>>
      %dma_start3A_66 = arith.constant 0 : i32
      %dma_start3A_67 = arith.constant 0 : i32
      %dma_start3A_68 = tpu.memref_slice %arg8[%dma_start3A_66, %dma_start3A_67] : memref<128x128xf32, #tpu.memory_space<vmem>> -> memref<128x128xf32, #tpu.memory_space<vmem>>
      %dma_start3A_69 = arith.constant 0 : i32
      %dma_start3A_70 = tpu.memref_slice %arg9[%add3A_30, %dma_start3A_69] : memref<10112x128xf32, #tpu.memory_space<vmem_shared>> -> memref<128x128xf32, #tpu.memory_space<vmem_shared>>
      tpu.enqueue_dma source(%dma_start3A_70 : memref<128x128xf32, #tpu.memory_space<vmem_shared>>) target(%dma_start3A_68 : memref<128x128xf32, #tpu.memory_space<vmem>>) target_semaphore(%run_scoped3A : memref<!tpu.dma_semaphore, #tpu.memory_space<semaphore_mem>>)
      %dma_wait3A = arith.constant 0 : i32
      %dma_wait3A_71 = arith.constant 0 : i32
      %dma_wait3A_72 = tpu.memref_slice %arg8[%dma_wait3A, %dma_wait3A_71] : memref<128x128xf32, #tpu.memory_space<vmem>> -> memref<128x128xf32, #tpu.memory_space<vmem>>
      %dma_wait3A_73 = arith.constant 0 : i32
      %dma_wait3A_74 = tpu.memref_slice %arg9[%add3A_30, %dma_wait3A_73] : memref<10112x128xf32, #tpu.memory_space<vmem_shared>> -> memref<128x128xf32, #tpu.memory_space<vmem_shared>>
      %dma_wait3A_75 = arith.constant 0 : i32
      %dma_wait3A_76 = arith.constant 0 : i32
      %dma_wait3A_77 = tpu.memref_slice %arg8[%dma_wait3A_75, %dma_wait3A_76] : memref<128x128xf32, #tpu.memory_space<vmem>> -> memref<128x128xf32, #tpu.memory_space<vmem>>
      %dma_wait3A_78 = arith.constant 0 : i32
      %dma_wait3A_79 = tpu.memref_slice %arg9[%add3A_30, %dma_wait3A_78] : memref<10112x128xf32, #tpu.memory_space<vmem_shared>> -> memref<128x128xf32, #tpu.memory_space<vmem_shared>>
      tpu.wait_dma2 semaphore(%run_scoped3A : memref<!tpu.dma_semaphore, #tpu.memory_space<semaphore_mem>>) src(%dma_wait3A_79 : memref<128x128xf32, #tpu.memory_space<vmem_shared>>) dst(%dma_wait3A_77 : memref<128x128xf32, #tpu.memory_space<vmem>>)
      tpu.yield
    }) : () -> ()
    %mul3A_31 = arith.constant 10112 : i32
    %mul3A_32 = arith.muli %arg0, %mul3A_31 : i32
    %add3A_33 = arith.addi %mul3A_32, %add3A_30 : i32
    "tpu.region"() ({
      %run_scoped3A = tpu.sem_alloc : memref<!tpu.dma_semaphore, #tpu.memory_space<semaphore_mem>>
      %dma_start3A = arith.constant 0 : i32
      %dma_start3A_62 = arith.constant 0 : i32
      %dma_start3A_63 = tpu.memref_slice %arg8[%dma_start3A, %dma_start3A_62] : memref<128x128xf32, #tpu.memory_space<vmem>> -> memref<128x128xf32, #tpu.memory_space<vmem>>
      %dma_start3A_64 = arith.constant 0 : i32
      %dma_start3A_65 = tpu.memref_slice %arg6[%add3A_33, %dma_start3A_64] : memref<20224x128xf32, #tpu.memory_space<hbm>> -> memref<128x128xf32, #tpu.memory_space<hbm>>
      %dma_start3A_66 = arith.constant 0 : i32
      %dma_start3A_67 = tpu.memref_slice %arg6[%add3A_33, %dma_start3A_66] : memref<20224x128xf32, #tpu.memory_space<hbm>> -> memref<128x128xf32, #tpu.memory_space<hbm>>
      %dma_start3A_68 = arith.constant 0 : i32
      %dma_start3A_69 = arith.constant 0 : i32
      %dma_start3A_70 = tpu.memref_slice %arg8[%dma_start3A_68, %dma_start3A_69] : memref<128x128xf32, #tpu.memory_space<vmem>> -> memref<128x128xf32, #tpu.memory_space<vmem>>
      tpu.enqueue_dma source(%dma_start3A_70 : memref<128x128xf32, #tpu.memory_space<vmem>>) target(%dma_start3A_67 : memref<128x128xf32, #tpu.memory_space<hbm>>) target_semaphore(%run_scoped3A : memref<!tpu.dma_semaphore, #tpu.memory_space<semaphore_mem>>)
      %dma_wait3A = arith.constant 0 : i32
      %dma_wait3A_71 = arith.constant 0 : i32
      %dma_wait3A_72 = tpu.memref_slice %arg8[%dma_wait3A, %dma_wait3A_71] : memref<128x128xf32, #tpu.memory_space<vmem>> -> memref<128x128xf32, #tpu.memory_space<vmem>>
      %dma_wait3A_73 = arith.constant 0 : i32
      %dma_wait3A_74 = tpu.memref_slice %arg6[%add3A_33, %dma_wait3A_73] : memref<20224x128xf32, #tpu.memory_space<hbm>> -> memref<128x128xf32, #tpu.memory_space<hbm>>
      %dma_wait3A_75 = arith.constant 0 : i32
      %dma_wait3A_76 = tpu.memref_slice %arg6[%add3A_33, %dma_wait3A_75] : memref<20224x128xf32, #tpu.memory_space<hbm>> -> memref<128x128xf32, #tpu.memory_space<hbm>>
      %dma_wait3A_77 = arith.constant 0 : i32
      %dma_wait3A_78 = arith.constant 0 : i32
      %dma_wait3A_79 = tpu.memref_slice %arg8[%dma_wait3A_77, %dma_wait3A_78] : memref<128x128xf32, #tpu.memory_space<vmem>> -> memref<128x128xf32, #tpu.memory_space<vmem>>
      tpu.wait_dma2 semaphore(%run_scoped3A : memref<!tpu.dma_semaphore, #tpu.memory_space<semaphore_mem>>) src(%dma_wait3A_79 : memref<128x128xf32, #tpu.memory_space<vmem>>) dst(%dma_wait3A_76 : memref<128x128xf32, #tpu.memory_space<hbm>>)
      tpu.yield
    }) : () -> ()
    %mul3A_34 = arith.constant 632 : i32
    %mul3A_35 = arith.muli %arg1, %mul3A_34 : i32
    %add3A_36 = arith.constant 128 : i32
    %add3A_37 = arith.addi %mul3A_35, %add3A_36 : i32
    "tpu.region"() ({
      %run_scoped3A = tpu.sem_alloc : memref<!tpu.dma_semaphore, #tpu.memory_space<semaphore_mem>>
      %dma_start3A = arith.constant 0 : i32
      %dma_start3A_62 = arith.constant 0 : i32
      %dma_start3A_63 = tpu.memref_slice %arg8[%dma_start3A, %dma_start3A_62] : memref<128x128xf32, #tpu.memory_space<vmem>> -> memref<128x128xf32, #tpu.memory_space<vmem>>
      %dma_start3A_64 = arith.constant 0 : i32
      %dma_start3A_65 = tpu.memref_slice %arg9[%add3A_37, %dma_start3A_64] : memref<10112x128xf32, #tpu.memory_space<vmem_shared>> -> memref<128x128xf32, #tpu.memory_space<vmem_shared>>
      %dma_start3A_66 = arith.constant 0 : i32
      %dma_start3A_67 = arith.constant 0 : i32
      %dma_start3A_68 = tpu.memref_slice %arg8[%dma_start3A_66, %dma_start3A_67] : memref<128x128xf32, #tpu.memory_space<vmem>> -> memref<128x128xf32, #tpu.memory_space<vmem>>
      %dma_start3A_69 = arith.constant 0 : i32
      %dma_start3A_70 = tpu.memref_slice %arg9[%add3A_37, %dma_start3A_69] : memref<10112x128xf32, #tpu.memory_space<vmem_shared>> -> memref<128x128xf32, #tpu.memory_space<vmem_shared>>
      tpu.enqueue_dma source(%dma_start3A_70 : memref<128x128xf32, #tpu.memory_space<vmem_shared>>) target(%dma_start3A_68 : memref<128x128xf32, #tpu.memory_space<vmem>>) target_semaphore(%run_scoped3A : memref<!tpu.dma_semaphore, #tpu.memory_space<semaphore_mem>>)
      %dma_wait3A = arith.constant 0 : i32
      %dma_wait3A_71 = arith.constant 0 : i32
      %dma_wait3A_72 = tpu.memref_slice %arg8[%dma_wait3A, %dma_wait3A_71] : memref<128x128xf32, #tpu.memory_space<vmem>> -> memref<128x128xf32, #tpu.memory_space<vmem>>
      %dma_wait3A_73 = arith.constant 0 : i32
      %dma_wait3A_74 = tpu.memref_slice %arg9[%add3A_37, %dma_wait3A_73] : memref<10112x128xf32, #tpu.memory_space<vmem_shared>> -> memref<128x128xf32, #tpu.memory_space<vmem_shared>>
      %dma_wait3A_75 = arith.constant 0 : i32
      %dma_wait3A_76 = arith.constant 0 : i32
      %dma_wait3A_77 = tpu.memref_slice %arg8[%dma_wait3A_75, %dma_wait3A_76] : memref<128x128xf32, #tpu.memory_space<vmem>> -> memref<128x128xf32, #tpu.memory_space<vmem>>
      %dma_wait3A_78 = arith.constant 0 : i32
      %dma_wait3A_79 = tpu.memref_slice %arg9[%add3A_37, %dma_wait3A_78] : memref<10112x128xf32, #tpu.memory_space<vmem_shared>> -> memref<128x128xf32, #tpu.memory_space<vmem_shared>>
      tpu.wait_dma2 semaphore(%run_scoped3A : memref<!tpu.dma_semaphore, #tpu.memory_space<semaphore_mem>>) src(%dma_wait3A_79 : memref<128x128xf32, #tpu.memory_space<vmem_shared>>) dst(%dma_wait3A_77 : memref<128x128xf32, #tpu.memory_space<vmem>>)
      tpu.yield
    }) : () -> ()
    %mul3A_38 = arith.constant 10112 : i32
    %mul3A_39 = arith.muli %arg0, %mul3A_38 : i32
    %add3A_40 = arith.addi %mul3A_39, %add3A_37 : i32
    "tpu.region"() ({
      %run_scoped3A = tpu.sem_alloc : memref<!tpu.dma_semaphore, #tpu.memory_space<semaphore_mem>>
      %dma_start3A = arith.constant 0 : i32
      %dma_start3A_62 = arith.constant 0 : i32
      %dma_start3A_63 = tpu.memref_slice %arg8[%dma_start3A, %dma_start3A_62] : memref<128x128xf32, #tpu.memory_space<vmem>> -> memref<128x128xf32, #tpu.memory_space<vmem>>
      %dma_start3A_64 = arith.constant 0 : i32
      %dma_start3A_65 = tpu.memref_slice %arg6[%add3A_40, %dma_start3A_64] : memref<20224x128xf32, #tpu.memory_space<hbm>> -> memref<128x128xf32, #tpu.memory_space<hbm>>
      %dma_start3A_66 = arith.constant 0 : i32
      %dma_start3A_67 = tpu.memref_slice %arg6[%add3A_40, %dma_start3A_66] : memref<20224x128xf32, #tpu.memory_space<hbm>> -> memref<128x128xf32, #tpu.memory_space<hbm>>
      %dma_start3A_68 = arith.constant 0 : i32
      %dma_start3A_69 = arith.constant 0 : i32
      %dma_start3A_70 = tpu.memref_slice %arg8[%dma_start3A_68, %dma_start3A_69] : memref<128x128xf32, #tpu.memory_space<vmem>> -> memref<128x128xf32, #tpu.memory_space<vmem>>
      tpu.enqueue_dma source(%dma_start3A_70 : memref<128x128xf32, #tpu.memory_space<vmem>>) target(%dma_start3A_67 : memref<128x128xf32, #tpu.memory_space<hbm>>) target_semaphore(%run_scoped3A : memref<!tpu.dma_semaphore, #tpu.memory_space<semaphore_mem>>)
      %dma_wait3A = arith.constant 0 : i32
      %dma_wait3A_71 = arith.constant 0 : i32
      %dma_wait3A_72 = tpu.memref_slice %arg8[%dma_wait3A, %dma_wait3A_71] : memref<128x128xf32, #tpu.memory_space<vmem>> -> memref<128x128xf32, #tpu.memory_space<vmem>>
      %dma_wait3A_73 = arith.constant 0 : i32
      %dma_wait3A_74 = tpu.memref_slice %arg6[%add3A_40, %dma_wait3A_73] : memref<20224x128xf32, #tpu.memory_space<hbm>> -> memref<128x128xf32, #tpu.memory_space<hbm>>
      %dma_wait3A_75 = arith.constant 0 : i32
      %dma_wait3A_76 = tpu.memref_slice %arg6[%add3A_40, %dma_wait3A_75] : memref<20224x128xf32, #tpu.memory_space<hbm>> -> memref<128x128xf32, #tpu.memory_space<hbm>>
      %dma_wait3A_77 = arith.constant 0 : i32
      %dma_wait3A_78 = arith.constant 0 : i32
      %dma_wait3A_79 = tpu.memref_slice %arg8[%dma_wait3A_77, %dma_wait3A_78] : memref<128x128xf32, #tpu.memory_space<vmem>> -> memref<128x128xf32, #tpu.memory_space<vmem>>
      tpu.wait_dma2 semaphore(%run_scoped3A : memref<!tpu.dma_semaphore, #tpu.memory_space<semaphore_mem>>) src(%dma_wait3A_79 : memref<128x128xf32, #tpu.memory_space<vmem>>) dst(%dma_wait3A_76 : memref<128x128xf32, #tpu.memory_space<hbm>>)
      tpu.yield
    }) : () -> ()
    %mul3A_41 = arith.constant 632 : i32
    %mul3A_42 = arith.muli %arg1, %mul3A_41 : i32
    %add3A_43 = arith.constant 256 : i32
    %add3A_44 = arith.addi %mul3A_42, %add3A_43 : i32
    "tpu.region"() ({
      %run_scoped3A = tpu.sem_alloc : memref<!tpu.dma_semaphore, #tpu.memory_space<semaphore_mem>>
      %dma_start3A = arith.constant 0 : i32
      %dma_start3A_62 = arith.constant 0 : i32
      %dma_start3A_63 = tpu.memref_slice %arg8[%dma_start3A, %dma_start3A_62] : memref<128x128xf32, #tpu.memory_space<vmem>> -> memref<128x128xf32, #tpu.memory_space<vmem>>
      %dma_start3A_64 = arith.constant 0 : i32
      %dma_start3A_65 = tpu.memref_slice %arg9[%add3A_44, %dma_start3A_64] : memref<10112x128xf32, #tpu.memory_space<vmem_shared>> -> memref<128x128xf32, #tpu.memory_space<vmem_shared>>
      %dma_start3A_66 = arith.constant 0 : i32
      %dma_start3A_67 = arith.constant 0 : i32
      %dma_start3A_68 = tpu.memref_slice %arg8[%dma_start3A_66, %dma_start3A_67] : memref<128x128xf32, #tpu.memory_space<vmem>> -> memref<128x128xf32, #tpu.memory_space<vmem>>
      %dma_start3A_69 = arith.constant 0 : i32
      %dma_start3A_70 = tpu.memref_slice %arg9[%add3A_44, %dma_start3A_69] : memref<10112x128xf32, #tpu.memory_space<vmem_shared>> -> memref<128x128xf32, #tpu.memory_space<vmem_shared>>
      tpu.enqueue_dma source(%dma_start3A_70 : memref<128x128xf32, #tpu.memory_space<vmem_shared>>) target(%dma_start3A_68 : memref<128x128xf32, #tpu.memory_space<vmem>>) target_semaphore(%run_scoped3A : memref<!tpu.dma_semaphore, #tpu.memory_space<semaphore_mem>>)
      %dma_wait3A = arith.constant 0 : i32
      %dma_wait3A_71 = arith.constant 0 : i32
      %dma_wait3A_72 = tpu.memref_slice %arg8[%dma_wait3A, %dma_wait3A_71] : memref<128x128xf32, #tpu.memory_space<vmem>> -> memref<128x128xf32, #tpu.memory_space<vmem>>
      %dma_wait3A_73 = arith.constant 0 : i32
      %dma_wait3A_74 = tpu.memref_slice %arg9[%add3A_44, %dma_wait3A_73] : memref<10112x128xf32, #tpu.memory_space<vmem_shared>> -> memref<128x128xf32, #tpu.memory_space<vmem_shared>>
      %dma_wait3A_75 = arith.constant 0 : i32
      %dma_wait3A_76 = arith.constant 0 : i32
      %dma_wait3A_77 = tpu.memref_slice %arg8[%dma_wait3A_75, %dma_wait3A_76] : memref<128x128xf32, #tpu.memory_space<vmem>> -> memref<128x128xf32, #tpu.memory_space<vmem>>
      %dma_wait3A_78 = arith.constant 0 : i32
      %dma_wait3A_79 = tpu.memref_slice %arg9[%add3A_44, %dma_wait3A_78] : memref<10112x128xf32, #tpu.memory_space<vmem_shared>> -> memref<128x128xf32, #tpu.memory_space<vmem_shared>>
      tpu.wait_dma2 semaphore(%run_scoped3A : memref<!tpu.dma_semaphore, #tpu.memory_space<semaphore_mem>>) src(%dma_wait3A_79 : memref<128x128xf32, #tpu.memory_space<vmem_shared>>) dst(%dma_wait3A_77 : memref<128x128xf32, #tpu.memory_space<vmem>>)
      tpu.yield
    }) : () -> ()
    %mul3A_45 = arith.constant 10112 : i32
    %mul3A_46 = arith.muli %arg0, %mul3A_45 : i32
    %add3A_47 = arith.addi %mul3A_46, %add3A_44 : i32
    "tpu.region"() ({
      %run_scoped3A = tpu.sem_alloc : memref<!tpu.dma_semaphore, #tpu.memory_space<semaphore_mem>>
      %dma_start3A = arith.constant 0 : i32
      %dma_start3A_62 = arith.constant 0 : i32
      %dma_start3A_63 = tpu.memref_slice %arg8[%dma_start3A, %dma_start3A_62] : memref<128x128xf32, #tpu.memory_space<vmem>> -> memref<128x128xf32, #tpu.memory_space<vmem>>
      %dma_start3A_64 = arith.constant 0 : i32
      %dma_start3A_65 = tpu.memref_slice %arg6[%add3A_47, %dma_start3A_64] : memref<20224x128xf32, #tpu.memory_space<hbm>> -> memref<128x128xf32, #tpu.memory_space<hbm>>
      %dma_start3A_66 = arith.constant 0 : i32
      %dma_start3A_67 = tpu.memref_slice %arg6[%add3A_47, %dma_start3A_66] : memref<20224x128xf32, #tpu.memory_space<hbm>> -> memref<128x128xf32, #tpu.memory_space<hbm>>
      %dma_start3A_68 = arith.constant 0 : i32
      %dma_start3A_69 = arith.constant 0 : i32
      %dma_start3A_70 = tpu.memref_slice %arg8[%dma_start3A_68, %dma_start3A_69] : memref<128x128xf32, #tpu.memory_space<vmem>> -> memref<128x128xf32, #tpu.memory_space<vmem>>
      tpu.enqueue_dma source(%dma_start3A_70 : memref<128x128xf32, #tpu.memory_space<vmem>>) target(%dma_start3A_67 : memref<128x128xf32, #tpu.memory_space<hbm>>) target_semaphore(%run_scoped3A : memref<!tpu.dma_semaphore, #tpu.memory_space<semaphore_mem>>)
      %dma_wait3A = arith.constant 0 : i32
      %dma_wait3A_71 = arith.constant 0 : i32
      %dma_wait3A_72 = tpu.memref_slice %arg8[%dma_wait3A, %dma_wait3A_71] : memref<128x128xf32, #tpu.memory_space<vmem>> -> memref<128x128xf32, #tpu.memory_space<vmem>>
      %dma_wait3A_73 = arith.constant 0 : i32
      %dma_wait3A_74 = tpu.memref_slice %arg6[%add3A_47, %dma_wait3A_73] : memref<20224x128xf32, #tpu.memory_space<hbm>> -> memref<128x128xf32, #tpu.memory_space<hbm>>
      %dma_wait3A_75 = arith.constant 0 : i32
      %dma_wait3A_76 = tpu.memref_slice %arg6[%add3A_47, %dma_wait3A_75] : memref<20224x128xf32, #tpu.memory_space<hbm>> -> memref<128x128xf32, #tpu.memory_space<hbm>>
      %dma_wait3A_77 = arith.constant 0 : i32
      %dma_wait3A_78 = arith.constant 0 : i32
      %dma_wait3A_79 = tpu.memref_slice %arg8[%dma_wait3A_77, %dma_wait3A_78] : memref<128x128xf32, #tpu.memory_space<vmem>> -> memref<128x128xf32, #tpu.memory_space<vmem>>
      tpu.wait_dma2 semaphore(%run_scoped3A : memref<!tpu.dma_semaphore, #tpu.memory_space<semaphore_mem>>) src(%dma_wait3A_79 : memref<128x128xf32, #tpu.memory_space<vmem>>) dst(%dma_wait3A_76 : memref<128x128xf32, #tpu.memory_space<hbm>>)
      tpu.yield
    }) : () -> ()
    %mul3A_48 = arith.constant 632 : i32
    %mul3A_49 = arith.muli %arg1, %mul3A_48 : i32
    %add3A_50 = arith.constant 384 : i32
    %add3A_51 = arith.addi %mul3A_49, %add3A_50 : i32
    "tpu.region"() ({
      %run_scoped3A = tpu.sem_alloc : memref<!tpu.dma_semaphore, #tpu.memory_space<semaphore_mem>>
      %dma_start3A = arith.constant 0 : i32
      %dma_start3A_62 = arith.constant 0 : i32
      %dma_start3A_63 = tpu.memref_slice %arg8[%dma_start3A, %dma_start3A_62] : memref<128x128xf32, #tpu.memory_space<vmem>> -> memref<128x128xf32, #tpu.memory_space<vmem>>
      %dma_start3A_64 = arith.constant 0 : i32
      %dma_start3A_65 = tpu.memref_slice %arg9[%add3A_51, %dma_start3A_64] : memref<10112x128xf32, #tpu.memory_space<vmem_shared>> -> memref<128x128xf32, #tpu.memory_space<vmem_shared>>
      %dma_start3A_66 = arith.constant 0 : i32
      %dma_start3A_67 = arith.constant 0 : i32
      %dma_start3A_68 = tpu.memref_slice %arg8[%dma_start3A_66, %dma_start3A_67] : memref<128x128xf32, #tpu.memory_space<vmem>> -> memref<128x128xf32, #tpu.memory_space<vmem>>
      %dma_start3A_69 = arith.constant 0 : i32
      %dma_start3A_70 = tpu.memref_slice %arg9[%add3A_51, %dma_start3A_69] : memref<10112x128xf32, #tpu.memory_space<vmem_shared>> -> memref<128x128xf32, #tpu.memory_space<vmem_shared>>
      tpu.enqueue_dma source(%dma_start3A_70 : memref<128x128xf32, #tpu.memory_space<vmem_shared>>) target(%dma_start3A_68 : memref<128x128xf32, #tpu.memory_space<vmem>>) target_semaphore(%run_scoped3A : memref<!tpu.dma_semaphore, #tpu.memory_space<semaphore_mem>>)
      %dma_wait3A = arith.constant 0 : i32
      %dma_wait3A_71 = arith.constant 0 : i32
      %dma_wait3A_72 = tpu.memref_slice %arg8[%dma_wait3A, %dma_wait3A_71] : memref<128x128xf32, #tpu.memory_space<vmem>> -> memref<128x128xf32, #tpu.memory_space<vmem>>
      %dma_wait3A_73 = arith.constant 0 : i32
      %dma_wait3A_74 = tpu.memref_slice %arg9[%add3A_51, %dma_wait3A_73] : memref<10112x128xf32, #tpu.memory_space<vmem_shared>> -> memref<128x128xf32, #tpu.memory_space<vmem_shared>>
      %dma_wait3A_75 = arith.constant 0 : i32
      %dma_wait3A_76 = arith.constant 0 : i32
      %dma_wait3A_77 = tpu.memref_slice %arg8[%dma_wait3A_75, %dma_wait3A_76] : memref<128x128xf32, #tpu.memory_space<vmem>> -> memref<128x128xf32, #tpu.memory_space<vmem>>
      %dma_wait3A_78 = arith.constant 0 : i32
      %dma_wait3A_79 = tpu.memref_slice %arg9[%add3A_51, %dma_wait3A_78] : memref<10112x128xf32, #tpu.memory_space<vmem_shared>> -> memref<128x128xf32, #tpu.memory_space<vmem_shared>>
      tpu.wait_dma2 semaphore(%run_scoped3A : memref<!tpu.dma_semaphore, #tpu.memory_space<semaphore_mem>>) src(%dma_wait3A_79 : memref<128x128xf32, #tpu.memory_space<vmem_shared>>) dst(%dma_wait3A_77 : memref<128x128xf32, #tpu.memory_space<vmem>>)
      tpu.yield
    }) : () -> ()
    %mul3A_52 = arith.constant 10112 : i32
    %mul3A_53 = arith.muli %arg0, %mul3A_52 : i32
    %add3A_54 = arith.addi %mul3A_53, %add3A_51 : i32
    "tpu.region"() ({
      %run_scoped3A = tpu.sem_alloc : memref<!tpu.dma_semaphore, #tpu.memory_space<semaphore_mem>>
      %dma_start3A = arith.constant 0 : i32
      %dma_start3A_62 = arith.constant 0 : i32
      %dma_start3A_63 = tpu.memref_slice %arg8[%dma_start3A, %dma_start3A_62] : memref<128x128xf32, #tpu.memory_space<vmem>> -> memref<128x128xf32, #tpu.memory_space<vmem>>
      %dma_start3A_64 = arith.constant 0 : i32
      %dma_start3A_65 = tpu.memref_slice %arg6[%add3A_54, %dma_start3A_64] : memref<20224x128xf32, #tpu.memory_space<hbm>> -> memref<128x128xf32, #tpu.memory_space<hbm>>
      %dma_start3A_66 = arith.constant 0 : i32
      %dma_start3A_67 = tpu.memref_slice %arg6[%add3A_54, %dma_start3A_66] : memref<20224x128xf32, #tpu.memory_space<hbm>> -> memref<128x128xf32, #tpu.memory_space<hbm>>
      %dma_start3A_68 = arith.constant 0 : i32
      %dma_start3A_69 = arith.constant 0 : i32
      %dma_start3A_70 = tpu.memref_slice %arg8[%dma_start3A_68, %dma_start3A_69] : memref<128x128xf32, #tpu.memory_space<vmem>> -> memref<128x128xf32, #tpu.memory_space<vmem>>
      tpu.enqueue_dma source(%dma_start3A_70 : memref<128x128xf32, #tpu.memory_space<vmem>>) target(%dma_start3A_67 : memref<128x128xf32, #tpu.memory_space<hbm>>) target_semaphore(%run_scoped3A : memref<!tpu.dma_semaphore, #tpu.memory_space<semaphore_mem>>)
      %dma_wait3A = arith.constant 0 : i32
      %dma_wait3A_71 = arith.constant 0 : i32
      %dma_wait3A_72 = tpu.memref_slice %arg8[%dma_wait3A, %dma_wait3A_71] : memref<128x128xf32, #tpu.memory_space<vmem>> -> memref<128x128xf32, #tpu.memory_space<vmem>>
      %dma_wait3A_73 = arith.constant 0 : i32
      %dma_wait3A_74 = tpu.memref_slice %arg6[%add3A_54, %dma_wait3A_73] : memref<20224x128xf32, #tpu.memory_space<hbm>> -> memref<128x128xf32, #tpu.memory_space<hbm>>
      %dma_wait3A_75 = arith.constant 0 : i32
      %dma_wait3A_76 = tpu.memref_slice %arg6[%add3A_54, %dma_wait3A_75] : memref<20224x128xf32, #tpu.memory_space<hbm>> -> memref<128x128xf32, #tpu.memory_space<hbm>>
      %dma_wait3A_77 = arith.constant 0 : i32
      %dma_wait3A_78 = arith.constant 0 : i32
      %dma_wait3A_79 = tpu.memref_slice %arg8[%dma_wait3A_77, %dma_wait3A_78] : memref<128x128xf32, #tpu.memory_space<vmem>> -> memref<128x128xf32, #tpu.memory_space<vmem>>
      tpu.wait_dma2 semaphore(%run_scoped3A : memref<!tpu.dma_semaphore, #tpu.memory_space<semaphore_mem>>) src(%dma_wait3A_79 : memref<128x128xf32, #tpu.memory_space<vmem>>) dst(%dma_wait3A_76 : memref<128x128xf32, #tpu.memory_space<hbm>>)
      tpu.yield
    }) : () -> ()
    %mul3A_55 = arith.constant 632 : i32
    %mul3A_56 = arith.muli %arg1, %mul3A_55 : i32
    %add3A_57 = arith.constant 512 : i32
    %add3A_58 = arith.addi %mul3A_56, %add3A_57 : i32
    "tpu.region"() ({
      %run_scoped3A = tpu.sem_alloc : memref<!tpu.dma_semaphore, #tpu.memory_space<semaphore_mem>>
      %dma_start3A = arith.constant 0 : i32
      %dma_start3A_62 = arith.constant 0 : i32
      %dma_start3A_63 = tpu.memref_slice %arg8[%dma_start3A, %dma_start3A_62] : memref<128x128xf32, #tpu.memory_space<vmem>> -> memref<120x128xf32, #tpu.memory_space<vmem>>
      %dma_start3A_64 = arith.constant 0 : i32
      %dma_start3A_65 = tpu.memref_slice %arg9[%add3A_58, %dma_start3A_64] : memref<10112x128xf32, #tpu.memory_space<vmem_shared>> -> memref<120x128xf32, #tpu.memory_space<vmem_shared>>
      %dma_start3A_66 = arith.constant 0 : i32
      %dma_start3A_67 = arith.constant 0 : i32
      %dma_start3A_68 = tpu.memref_slice %arg8[%dma_start3A_66, %dma_start3A_67] : memref<128x128xf32, #tpu.memory_space<vmem>> -> memref<120x128xf32, #tpu.memory_space<vmem>>
      %dma_start3A_69 = arith.constant 0 : i32
      %dma_start3A_70 = tpu.memref_slice %arg9[%add3A_58, %dma_start3A_69] : memref<10112x128xf32, #tpu.memory_space<vmem_shared>> -> memref<120x128xf32, #tpu.memory_space<vmem_shared>>
      tpu.enqueue_dma source(%dma_start3A_70 : memref<120x128xf32, #tpu.memory_space<vmem_shared>>) target(%dma_start3A_68 : memref<120x128xf32, #tpu.memory_space<vmem>>) target_semaphore(%run_scoped3A : memref<!tpu.dma_semaphore, #tpu.memory_space<semaphore_mem>>)
      %dma_wait3A = arith.constant 0 : i32
      %dma_wait3A_71 = arith.constant 0 : i32
      %dma_wait3A_72 = tpu.memref_slice %arg8[%dma_wait3A, %dma_wait3A_71] : memref<128x128xf32, #tpu.memory_space<vmem>> -> memref<120x128xf32, #tpu.memory_space<vmem>>
      %dma_wait3A_73 = arith.constant 0 : i32
      %dma_wait3A_74 = tpu.memref_slice %arg9[%add3A_58, %dma_wait3A_73] : memref<10112x128xf32, #tpu.memory_space<vmem_shared>> -> memref<120x128xf32, #tpu.memory_space<vmem_shared>>
      %dma_wait3A_75 = arith.constant 0 : i32
      %dma_wait3A_76 = arith.constant 0 : i32
      %dma_wait3A_77 = tpu.memref_slice %arg8[%dma_wait3A_75, %dma_wait3A_76] : memref<128x128xf32, #tpu.memory_space<vmem>> -> memref<120x128xf32, #tpu.memory_space<vmem>>
      %dma_wait3A_78 = arith.constant 0 : i32
      %dma_wait3A_79 = tpu.memref_slice %arg9[%add3A_58, %dma_wait3A_78] : memref<10112x128xf32, #tpu.memory_space<vmem_shared>> -> memref<120x128xf32, #tpu.memory_space<vmem_shared>>
      tpu.wait_dma2 semaphore(%run_scoped3A : memref<!tpu.dma_semaphore, #tpu.memory_space<semaphore_mem>>) src(%dma_wait3A_79 : memref<120x128xf32, #tpu.memory_space<vmem_shared>>) dst(%dma_wait3A_77 : memref<120x128xf32, #tpu.memory_space<vmem>>)
      tpu.yield
    }) : () -> ()
    %mul3A_59 = arith.constant 10112 : i32
    %mul3A_60 = arith.muli %arg0, %mul3A_59 : i32
    %add3A_61 = arith.addi %mul3A_60, %add3A_58 : i32
    "tpu.region"() ({
      %run_scoped3A = tpu.sem_alloc : memref<!tpu.dma_semaphore, #tpu.memory_space<semaphore_mem>>
      %dma_start3A = arith.constant 0 : i32
      %dma_start3A_62 = arith.constant 0 : i32
      %dma_start3A_63 = tpu.memref_slice %arg8[%dma_start3A, %dma_start3A_62] : memref<128x128xf32, #tpu.memory_space<vmem>> -> memref<120x128xf32, #tpu.memory_space<vmem>>
      %dma_start3A_64 = arith.constant 0 : i32
      %dma_start3A_65 = tpu.memref_slice %arg6[%add3A_61, %dma_start3A_64] : memref<20224x128xf32, #tpu.memory_space<hbm>> -> memref<120x128xf32, #tpu.memory_space<hbm>>
      %dma_start3A_66 = arith.constant 0 : i32
      %dma_start3A_67 = tpu.memref_slice %arg6[%add3A_61, %dma_start3A_66] : memref<20224x128xf32, #tpu.memory_space<hbm>> -> memref<120x128xf32, #tpu.memory_space<hbm>>
      %dma_start3A_68 = arith.constant 0 : i32
      %dma_start3A_69 = arith.constant 0 : i32
      %dma_start3A_70 = tpu.memref_slice %arg8[%dma_start3A_68, %dma_start3A_69] : memref<128x128xf32, #tpu.memory_space<vmem>> -> memref<120x128xf32, #tpu.memory_space<vmem>>
      tpu.enqueue_dma source(%dma_start3A_70 : memref<120x128xf32, #tpu.memory_space<vmem>>) target(%dma_start3A_67 : memref<120x128xf32, #tpu.memory_space<hbm>>) target_semaphore(%run_scoped3A : memref<!tpu.dma_semaphore, #tpu.memory_space<semaphore_mem>>)
      %dma_wait3A = arith.constant 0 : i32
      %dma_wait3A_71 = arith.constant 0 : i32
      %dma_wait3A_72 = tpu.memref_slice %arg8[%dma_wait3A, %dma_wait3A_71] : memref<128x128xf32, #tpu.memory_space<vmem>> -> memref<120x128xf32, #tpu.memory_space<vmem>>
      %dma_wait3A_73 = arith.constant 0 : i32
      %dma_wait3A_74 = tpu.memref_slice %arg6[%add3A_61, %dma_wait3A_73] : memref<20224x128xf32, #tpu.memory_space<hbm>> -> memref<120x128xf32, #tpu.memory_space<hbm>>
      %dma_wait3A_75 = arith.constant 0 : i32
      %dma_wait3A_76 = tpu.memref_slice %arg6[%add3A_61, %dma_wait3A_75] : memref<20224x128xf32, #tpu.memory_space<hbm>> -> memref<120x128xf32, #tpu.memory_space<hbm>>
      %dma_wait3A_77 = arith.constant 0 : i32
      %dma_wait3A_78 = arith.constant 0 : i32
      %dma_wait3A_79 = tpu.memref_slice %arg8[%dma_wait3A_77, %dma_wait3A_78] : memref<128x128xf32, #tpu.memory_space<vmem>> -> memref<120x128xf32, #tpu.memory_space<vmem>>
      tpu.wait_dma2 semaphore(%run_scoped3A : memref<!tpu.dma_semaphore, #tpu.memory_space<semaphore_mem>>) src(%dma_wait3A_79 : memref<120x128xf32, #tpu.memory_space<vmem>>) dst(%dma_wait3A_76 : memref<120x128xf32, #tpu.memory_space<hbm>>)
      tpu.yield
    }) : () -> ()
    return
  }
}

module attributes {stable_mosaic.version = 14 : i64} {
  func.func @_h_body(%arg0: i32, %arg1: memref<1000x256xf32, #tpu.memory_space<vmem>>, %arg2: memref<256x256xf32, #tpu.memory_space<vmem>>, %arg3: memref<1x1xf32, #tpu.memory_space<vmem>>, %arg4: memref<1x1536xi32, #tpu.memory_space<vmem>>, %arg5: memref<2x1000x128xf32, #tpu.memory_space<vmem>>) attributes {dimension_semantics = [#tpu.dimension_semantics<arbitrary>], iteration_bounds = array<i64: 10>, scalar_prefetch = 0 : i64, scratch_operands = 0 : i64, tpu.core_type = #tpu.core_type<tc>, window_params = [{transform_indices = @transform_0, window_bounds = array<i64: 1000, 256>}, {pipeline_mode = #tpu.pipeline_mode<synchronous>, transform_indices = @transform_1, window_bounds = array<i64: 256, 256>}, {pipeline_mode = #tpu.pipeline_mode<synchronous>, transform_indices = @transform_2, window_bounds = array<i64: 1, 1>}, {pipeline_mode = #tpu.pipeline_mode<synchronous>, transform_indices = @transform_3, window_bounds = array<i64: 1, 1536>}, {transform_indices = @transform_4, window_bounds = array<i64: 2, 1000, 128>}]} {
    %get3A = arith.constant 0 : index
    %get3A_0 = arith.constant 0 : index
    %get3A_1 = vector.load %arg1[%get3A, %get3A_0] : memref<1000x256xf32, #tpu.memory_space<vmem>>, vector<1000x256xf32>
    %get3A_2 = arith.constant 0 : index
    %get3A_3 = arith.constant 0 : index
    %get3A_4 = vector.load %arg3[%get3A_2, %get3A_3] : memref<1x1xf32, #tpu.memory_space<vmem>>, vector<1x1xf32>
    %get3A_5 = vector.extract %get3A_4[0, 0] : f32 from vector<1x1xf32>
    %gt3A = arith.constant 0.000000e+00 : f32
    %gt3A_6 = vector.broadcast %gt3A : f32 to vector<1000x256xf32>
    %gt3A_7 = arith.cmpf ogt, %get3A_1, %gt3A_6 : vector<1000x256xf32>
    %mul3A = vector.broadcast %get3A_5 : f32 to vector<1000x256xf32>
    %mul3A_8 = arith.mulf %mul3A, %get3A_1 : vector<1000x256xf32>
    %select_n3A = arith.select %gt3A_7, %get3A_1, %mul3A_8 : vector<1000x256xi1>, vector<1000x256xf32>
    %get3A_9 = arith.constant 0 : index
    %get3A_10 = arith.constant 0 : index
    %get3A_11 = vector.load %arg2[%get3A_9, %get3A_10] : memref<256x256xf32, #tpu.memory_space<vmem>>, vector<256x256xf32>
    %dot_general3A = arith.constant dense<0.000000e+00> : vector<1000x256xf32>
    %dot_general3A_12 = tpu.matmul %select_n3A, %get3A_11, %dot_general3A {dimension_numbers = #tpu.dot_dimension_numbers<[1], [1], [0], [0], [0, 0, 1, 0], [], []>, transpose_lhs_hint = false} : vector<1000x256xf32>, vector<256x256xf32>, vector<1000x256xf32> -> vector<1000x256xf32>
    %mul3A_13 = arith.constant 1000 : i32
    %mul3A_14 = arith.muli %arg0, %mul3A_13 : i32
    %iota3A = tpu.iota {dimensions = array<i32: 0>} : vector<1000x1xi32>
    %add3A = vector.broadcast %mul3A_14 : i32 to vector<1000x1xi32>
    %add3A_15 = arith.addi %add3A, %iota3A : vector<1000x1xi32>
    %get3A_16 = arith.constant 0 : index
    %get3A_17 = arith.constant 0 : index
    %get3A_18 = vector.load %arg4[%get3A_16, %get3A_17] : memref<1x1536xi32, #tpu.memory_space<vmem>>, vector<1x1536xi32>
    %eq3A = vector.broadcast %add3A_15 : vector<1000x1xi32> to vector<1000x1536xi32>
    %eq3A_19 = vector.broadcast %get3A_18 : vector<1x1536xi32> to vector<1000x1536xi32>
    %eq3A_20 = arith.cmpi eq, %eq3A, %eq3A_19 : vector<1000x1536xi32>
    %reduce_or3A = arith.constant 1.000000e+00 : f32
    %reduce_or3A_21 = arith.constant 0.000000e+00 : f32
    %reduce_or3A_22 = vector.broadcast %reduce_or3A : f32 to vector<1000x1536xf32>
    %reduce_or3A_23 = vector.broadcast %reduce_or3A_21 : f32 to vector<1000x1536xf32>
    %reduce_or3A_24 = arith.select %eq3A_20, %reduce_or3A_22, %reduce_or3A_23 : vector<1000x1536xi1>, vector<1000x1536xf32>
    %reduce_or3A_25 = arith.constant dense<0xFF800000> : vector<1000xf32>
    %reduce_or3A_26 = vector.multi_reduction <maximumf>, %reduce_or3A_24, %reduce_or3A_25 [1] : vector<1000x1536xf32> to vector<1000xf32>
    %reduce_or3A_27 = arith.constant 0.000000e+00 : f32
    %reduce_or3A_28 = vector.broadcast %reduce_or3A_27 : f32 to vector<1000xf32>
    %reduce_or3A_29 = arith.cmpf ogt, %reduce_or3A_26, %reduce_or3A_28 : vector<1000xf32>
    %broadcast_in_dim3A = vector.shape_cast %reduce_or3A_29 : vector<1000xi1> to vector<1000x1xi1>
    %jit3A = arith.constant 0.000000e+00 : f32
    %broadcast_in_dim3A_30 = vector.shape_cast %broadcast_in_dim3A : vector<1000x1xi1> to vector<1000x1xi1>
    %broadcast_in_dim3A_31 = vector.broadcast %broadcast_in_dim3A_30 : vector<1000x1xi1> to vector<1000x256xi1>
    %broadcast_in_dim3A_32 = vector.broadcast %jit3A : f32 to vector<1000x256xf32>
    %select_n3A_33 = arith.select %broadcast_in_dim3A_31, %broadcast_in_dim3A_32, %dot_general3A_12 : vector<1000x256xi1>, vector<1000x256xf32>
    %slice3A = vector.extract_strided_slice %select_n3A_33 {offsets = [0, 0], sizes = [1000, 128], strides = [1, 1]} : vector<1000x256xf32> to vector<1000x128xf32>
    %swap3A = arith.constant 0 : index
    %swap3A_34 = arith.constant 0 : index
    %swap3A_35 = arith.constant 0 : index
    %swap3A_36 = vector.load %arg5[%swap3A, %swap3A_34, %swap3A_35] : memref<2x1000x128xf32, #tpu.memory_space<vmem>>, vector<1x1000x128xf32>
    %swap3A_37 = vector.shape_cast %swap3A_36 : vector<1x1000x128xf32> to vector<1000x128xf32>
    %swap3A_38 = vector.shape_cast %slice3A : vector<1000x128xf32> to vector<1x1000x128xf32>
    tpu.vector_store %arg5[%swap3A, %swap3A_34, %swap3A_35], %swap3A_38 {strides = array<i32>} : memref<2x1000x128xf32, #tpu.memory_space<vmem>>, vector<1x1000x128xf32>,
    %slice3A_39 = vector.extract_strided_slice %select_n3A_33 {offsets = [0, 128], sizes = [1000, 128], strides = [1, 1]} : vector<1000x256xf32> to vector<1000x128xf32>
    %swap3A_40 = arith.constant 1 : index
    %swap3A_41 = arith.constant 0 : index
    %swap3A_42 = arith.constant 0 : index
    %swap3A_43 = vector.load %arg5[%swap3A_40, %swap3A_41, %swap3A_42] : memref<2x1000x128xf32, #tpu.memory_space<vmem>>, vector<1x1000x128xf32>
    %swap3A_44 = vector.shape_cast %swap3A_43 : vector<1x1000x128xf32> to vector<1000x128xf32>
    %swap3A_45 = vector.shape_cast %slice3A_39 : vector<1000x128xf32> to vector<1x1000x128xf32>
    tpu.vector_store %arg5[%swap3A_40, %swap3A_41, %swap3A_42], %swap3A_45 {strides = array<i32>} : memref<2x1000x128xf32, #tpu.memory_space<vmem>>, vector<1x1000x128xf32>,
    return
  }
  func.func @transform_0(%arg0: i32) -> (i32, i32) {
    %c0_i32 = arith.constant 0 : i32
    %c0_i32_0 = arith.constant 0 : i32
    return %arg0, %c0_i32 : i32, i32
  }
  func.func @transform_1(%arg0: i32) -> (i32, i32) {
    %c0_i32 = arith.constant 0 : i32
    %c0_i32_0 = arith.constant 0 : i32
    %c0_i32_1 = arith.constant 0 : i32
    return %c0_i32, %c0_i32_0 : i32, i32
  }
  func.func @transform_2(%arg0: i32) -> (i32, i32) {
    %c0_i32 = arith.constant 0 : i32
    %c0_i32_0 = arith.constant 0 : i32
    %c0_i32_1 = arith.constant 0 : i32
    return %c0_i32, %c0_i32_0 : i32, i32
  }
  func.func @transform_3(%arg0: i32) -> (i32, i32) {
    %c0_i32 = arith.constant 0 : i32
    %c0_i32_0 = arith.constant 0 : i32
    %c0_i32_1 = arith.constant 0 : i32
    return %c0_i32, %c0_i32_0 : i32, i32
  }
  func.func @transform_4(%arg0: i32) -> (i32, i32, i32) {
    %c0_i32 = arith.constant 0 : i32
    %c0_i32_0 = arith.constant 0 : i32
    %c0_i32_1 = arith.constant 0 : i32
    return %c0_i32, %arg0, %c0_i32_0 : i32, i32, i32
  }
}

module attributes {stable_mosaic.version = 14 : i64} {
  func.func @_onehot_body(%arg0: i32, %arg1: memref<2560x4xi32, #tpu.memory_space<vmem>>, %arg2: memref<2560x128xf32, #tpu.memory_space<vmem>>) attributes {dimension_semantics = [#tpu.dimension_semantics<arbitrary>], iteration_bounds = array<i64: 64>, scalar_prefetch = 0 : i64, scratch_operands = 0 : i64, tpu.core_type = #tpu.core_type<tc>, window_params = [{transform_indices = @transform_0, window_bounds = array<i64: 2560, 4>}, {transform_indices = @transform_1, window_bounds = array<i64: 2560, 128>}]} {
    %get3A = arith.constant 0 : index
    %get3A_0 = arith.constant 0 : index
    %get3A_1 = vector.load %arg1[%get3A, %get3A_0] : memref<2560x4xi32, #tpu.memory_space<vmem>>, vector<2560x4xi32>
    %iota3A = tpu.iota {dimensions = array<i32: 1>} : vector<2560x128xi32>
    %slice3A = vector.extract_strided_slice %get3A_1 {offsets = [0, 0], sizes = [2560, 1], strides = [1, 1]} : vector<2560x4xi32> to vector<2560x1xi32>
    %eq3A = vector.broadcast %slice3A : vector<2560x1xi32> to vector<2560x128xi32>
    %eq3A_2 = arith.cmpi eq, %iota3A, %eq3A : vector<2560x128xi32>
    %convert_element_type3A = arith.extui %eq3A_2 : vector<2560x128xi1> to vector<2560x128xi32>
    %convert_element_type3A_3 = arith.sitofp %convert_element_type3A : vector<2560x128xi32> to vector<2560x128xf32>
    %slice3A_4 = vector.extract_strided_slice %get3A_1 {offsets = [0, 1], sizes = [2560, 1], strides = [1, 1]} : vector<2560x4xi32> to vector<2560x1xi32>
    %add3A = arith.constant 5 : i32
    %add3A_5 = vector.broadcast %add3A : i32 to vector<2560x1xi32>
    %add3A_6 = arith.addi %add3A_5, %slice3A_4 : vector<2560x1xi32>
    %eq3A_7 = vector.broadcast %add3A_6 : vector<2560x1xi32> to vector<2560x128xi32>
    %eq3A_8 = arith.cmpi eq, %iota3A, %eq3A_7 : vector<2560x128xi32>
    %convert_element_type3A_9 = arith.extui %eq3A_8 : vector<2560x128xi1> to vector<2560x128xi32>
    %convert_element_type3A_10 = arith.sitofp %convert_element_type3A_9 : vector<2560x128xi32> to vector<2560x128xf32>
    %add3A_11 = arith.addf %convert_element_type3A_3, %convert_element_type3A_10 : vector<2560x128xf32>
    %slice3A_12 = vector.extract_strided_slice %get3A_1 {offsets = [0, 2], sizes = [2560, 1], strides = [1, 1]} : vector<2560x4xi32> to vector<2560x1xi32>
    %add3A_13 = arith.constant 8 : i32
    %add3A_14 = vector.broadcast %add3A_13 : i32 to vector<2560x1xi32>
    %add3A_15 = arith.addi %add3A_14, %slice3A_12 : vector<2560x1xi32>
    %eq3A_16 = vector.broadcast %add3A_15 : vector<2560x1xi32> to vector<2560x128xi32>
    %eq3A_17 = arith.cmpi eq, %iota3A, %eq3A_16 : vector<2560x128xi32>
    %convert_element_type3A_18 = arith.extui %eq3A_17 : vector<2560x128xi1> to vector<2560x128xi32>
    %convert_element_type3A_19 = arith.sitofp %convert_element_type3A_18 : vector<2560x128xi32> to vector<2560x128xf32>
    %add3A_20 = arith.addf %add3A_11, %convert_element_type3A_19 : vector<2560x128xf32>
    %slice3A_21 = vector.extract_strided_slice %get3A_1 {offsets = [0, 3], sizes = [2560, 1], strides = [1, 1]} : vector<2560x4xi32> to vector<2560x1xi32>
    %add3A_22 = arith.constant 11 : i32
    %add3A_23 = vector.broadcast %add3A_22 : i32 to vector<2560x1xi32>
    %add3A_24 = arith.addi %add3A_23, %slice3A_21 : vector<2560x1xi32>
    %eq3A_25 = vector.broadcast %add3A_24 : vector<2560x1xi32> to vector<2560x128xi32>
    %eq3A_26 = arith.cmpi eq, %iota3A, %eq3A_25 : vector<2560x128xi32>
    %convert_element_type3A_27 = arith.extui %eq3A_26 : vector<2560x128xi1> to vector<2560x128xi32>
    %convert_element_type3A_28 = arith.sitofp %convert_element_type3A_27 : vector<2560x128xi32> to vector<2560x128xf32>
    %add3A_29 = arith.addf %add3A_20, %convert_element_type3A_28 : vector<2560x128xf32>
    %mul3A = arith.constant 2560 : i32
    %mul3A_30 = arith.muli %arg0, %mul3A : i32
    %iota3A_31 = tpu.iota {dimensions = array<i32: 0>} : vector<2560x1xi32>
    %add3A_32 = vector.broadcast %mul3A_30 : i32 to vector<2560x1xi32>
    %add3A_33 = arith.addi %add3A_32, %iota3A_31 : vector<2560x1xi32>
    %lt3A = arith.constant 160000 : i32
    %lt3A_34 = vector.broadcast %lt3A : i32 to vector<2560x1xi32>
    %lt3A_35 = arith.cmpi slt, %add3A_33, %lt3A_34 : vector<2560x1xi32>
    %jit3A = arith.constant 0.000000e+00 : f32
    %broadcast_in_dim3A = vector.shape_cast %lt3A_35 : vector<2560x1xi1> to vector<2560x1xi1>
    %broadcast_in_dim3A_36 = vector.broadcast %broadcast_in_dim3A : vector<2560x1xi1> to vector<2560x128xi1>
    %broadcast_in_dim3A_37 = vector.broadcast %jit3A : f32 to vector<2560x128xf32>
    %select_n3A = arith.select %broadcast_in_dim3A_36, %add3A_29, %broadcast_in_dim3A_37 : vector<2560x128xi1>, vector<2560x128xf32>
    %swap3A = arith.constant 0 : index
    %swap3A_38 = arith.constant 0 : index
    %swap3A_39 = vector.load %arg2[%swap3A, %swap3A_38] : memref<2560x128xf32, #tpu.memory_space<vmem>>, vector<2560x128xf32>
    tpu.vector_store %arg2[%swap3A, %swap3A_38], %select_n3A {strides = array<i32>} : memref<2560x128xf32, #tpu.memory_space<vmem>>, vector<2560x128xf32>,
    return
  }
  func.func @transform_0(%arg0: i32) -> (i32, i32) {
    %c0_i32 = arith.constant 0 : i32
    %c0_i32_0 = arith.constant 0 : i32
    return %arg0, %c0_i32 : i32, i32
  }
  func.func @transform_1(%arg0: i32) -> (i32, i32) {
    %c0_i32 = arith.constant 0 : i32
    %c0_i32_0 = arith.constant 0 : i32
    return %arg0, %c0_i32 : i32, i32
  }
}

module attributes {stable_mosaic.version = 14 : i64} {
  func.func @_mlp_body(%arg0: i32, %arg1: memref<2x1000x128xf32, #tpu.memory_space<vmem>>, %arg2: memref<2x1000x128xf32, #tpu.memory_space<vmem>>, %arg3: memref<2x1000x128xf32, #tpu.memory_space<vmem>>, %arg4: memref<16x256xf32, #tpu.memory_space<vmem>>, %arg5: memref<512x256xf32, #tpu.memory_space<vmem>>, %arg6: memref<1x512xf32, #tpu.memory_space<vmem>>, %arg7: memref<256x512xf32, #tpu.memory_space<vmem>>, %arg8: memref<1x256xf32, #tpu.memory_space<vmem>>, %arg9: memref<1000x256xf32, #tpu.memory_space<vmem>>) attributes {dimension_semantics = [#tpu.dimension_semantics<arbitrary>], iteration_bounds = array<i64: 10>, scalar_prefetch = 0 : i64, scratch_operands = 0 : i64, tpu.core_type = #tpu.core_type<tc>, window_params = [{transform_indices = @transform_0, window_bounds = array<i64: 2, 1000, 128>}, {transform_indices = @transform_1, window_bounds = array<i64: 2, 1000, 128>}, {transform_indices = @transform_2, window_bounds = array<i64: 2, 1000, 128>}, {pipeline_mode = #tpu.pipeline_mode<synchronous>, transform_indices = @transform_3, window_bounds = array<i64: 16, 256>}, {pipeline_mode = #tpu.pipeline_mode<synchronous>, transform_indices = @transform_4, window_bounds = array<i64: 512, 256>}, {pipeline_mode = #tpu.pipeline_mode<synchronous>, transform_indices = @transform_5, window_bounds = array<i64: 1, 512>}, {pipeline_mode = #tpu.pipeline_mode<synchronous>, transform_indices = @transform_6, window_bounds = array<i64: 256, 512>}, {pipeline_mode = #tpu.pipeline_mode<synchronous>, transform_indices = @transform_7, window_bounds = array<i64: 1, 256>}, {transform_indices = @transform_8, window_bounds = array<i64: 1000, 256>}]} {
    %get3A = arith.constant 0 : index
    %get3A_0 = arith.constant 0 : index
    %get3A_1 = arith.constant 0 : index
    %get3A_2 = vector.load %arg1[%get3A, %get3A_0, %get3A_1] : memref<2x1000x128xf32, #tpu.memory_space<vmem>>, vector<1x1000x128xf32>
    %get3A_3 = vector.shape_cast %get3A_2 : vector<1x1000x128xf32> to vector<1000x128xf32>
    %get3A_4 = arith.constant 1 : index
    %get3A_5 = arith.constant 0 : index
    %get3A_6 = arith.constant 0 : index
    %get3A_7 = vector.load %arg1[%get3A_4, %get3A_5, %get3A_6] : memref<2x1000x128xf32, #tpu.memory_space<vmem>>, vector<1x1000x128xf32>
    %get3A_8 = vector.shape_cast %get3A_7 : vector<1x1000x128xf32> to vector<1000x128xf32>
    %concatenate3A = tpu.concatenate %get3A_3, %get3A_8 in 1 : vector<1000x128xf32>, vector<1000x128xf32> -> vector<1000x256xf32>
    %get3A_9 = arith.constant 0 : index
    %get3A_10 = arith.constant 0 : index
    %get3A_11 = arith.constant 0 : index
    %get3A_12 = vector.load %arg2[%get3A_9, %get3A_10, %get3A_11] : memref<2x1000x128xf32, #tpu.memory_space<vmem>>, vector<1x1000x128xf32>
    %get3A_13 = vector.shape_cast %get3A_12 : vector<1x1000x128xf32> to vector<1000x128xf32>
    %get3A_14 = arith.constant 1 : index
    %get3A_15 = arith.constant 0 : index
    %get3A_16 = arith.constant 0 : index
    %get3A_17 = vector.load %arg2[%get3A_14, %get3A_15, %get3A_16] : memref<2x1000x128xf32, #tpu.memory_space<vmem>>, vector<1x1000x128xf32>
    %get3A_18 = vector.shape_cast %get3A_17 : vector<1x1000x128xf32> to vector<1000x128xf32>
    %concatenate3A_19 = tpu.concatenate %get3A_13, %get3A_18 in 1 : vector<1000x128xf32>, vector<1000x128xf32> -> vector<1000x256xf32>
    %get3A_20 = arith.constant 0 : index
    %get3A_21 = arith.constant 0 : index
    %get3A_22 = arith.constant 0 : index
    %get3A_23 = vector.load %arg3[%get3A_20, %get3A_21, %get3A_22] : memref<2x1000x128xf32, #tpu.memory_space<vmem>>, vector<1x1000x128xf32>
    %get3A_24 = vector.shape_cast %get3A_23 : vector<1x1000x128xf32> to vector<1000x128xf32>
    %slice3A = vector.extract_strided_slice %get3A_24 {offsets = [0, 0], sizes = [1000, 16], strides = [1, 1]} : vector<1000x128xf32> to vector<1000x16xf32>
    %get3A_25 = arith.constant 1 : index
    %get3A_26 = arith.constant 0 : index
    %get3A_27 = arith.constant 0 : index
    %get3A_28 = vector.load %arg3[%get3A_25, %get3A_26, %get3A_27] : memref<2x1000x128xf32, #tpu.memory_space<vmem>>, vector<1x1000x128xf32>
    %get3A_29 = vector.shape_cast %get3A_28 : vector<1x1000x128xf32> to vector<1000x128xf32>
    %slice3A_30 = vector.extract_strided_slice %get3A_29 {offsets = [0, 0], sizes = [1000, 16], strides = [1, 1]} : vector<1000x128xf32> to vector<1000x16xf32>
    %add3A = arith.addf %slice3A, %slice3A_30 : vector<1000x16xf32>
    %get3A_31 = arith.constant 0 : index
    %get3A_32 = arith.constant 0 : index
    %get3A_33 = vector.load %arg4[%get3A_31, %get3A_32] : memref<16x256xf32, #tpu.memory_space<vmem>>, vector<16x256xf32>
    %slice3A_34 = vector.extract_strided_slice %get3A_33 {offsets = [4, 0], sizes = [1, 256], strides = [1, 1]} : vector<16x256xf32> to vector<1x256xf32>
    %squeeze3A = vector.shape_cast %slice3A_34 : vector<1x256xf32> to vector<256xf32>
    %slice3A_35 = vector.extract_strided_slice %get3A_33 {offsets = [5, 0], sizes = [1, 256], strides = [1, 1]} : vector<16x256xf32> to vector<1x256xf32>
    %squeeze3A_36 = vector.shape_cast %slice3A_35 : vector<1x256xf32> to vector<256xf32>
    %add3A_37 = arith.addf %squeeze3A, %squeeze3A_36 : vector<256xf32>
    %slice3A_38 = vector.extract_strided_slice %get3A_33 {offsets = [8, 0], sizes = [1, 256], strides = [1, 1]} : vector<16x256xf32> to vector<1x256xf32>
    %squeeze3A_39 = vector.shape_cast %slice3A_38 : vector<1x256xf32> to vector<256xf32>
    %add3A_40 = arith.addf %add3A_37, %squeeze3A_39 : vector<256xf32>
    %slice3A_41 = vector.extract_strided_slice %get3A_33 {offsets = [11, 0], sizes = [1, 256], strides = [1, 1]} : vector<16x256xf32> to vector<1x256xf32>
    %squeeze3A_42 = vector.shape_cast %slice3A_41 : vector<1x256xf32> to vector<256xf32>
    %add3A_43 = arith.addf %add3A_40, %squeeze3A_42 : vector<256xf32>
    %add3A_44 = arith.addf %concatenate3A, %concatenate3A_19 : vector<1000x256xf32>
    %broadcast_in_dim3A = vector.shape_cast %add3A_43 : vector<256xf32> to vector<1x256xf32>
    %add3A_45 = vector.broadcast %broadcast_in_dim3A : vector<1x256xf32> to vector<1000x256xf32>
    %add3A_46 = arith.addf %add3A_44, %add3A_45 : vector<1000x256xf32>
    %dot_general3A = arith.constant dense<0.000000e+00> : vector<1000x256xf32>
    %dot_general3A_47 = tpu.matmul %add3A, %get3A_33, %dot_general3A {dimension_numbers = #tpu.dot_dimension_numbers<[1], [0], [0], [1], [0, 0, 1, 1], [], []>, transpose_lhs_hint = false} : vector<1000x16xf32>, vector<16x256xf32>, vector<1000x256xf32> -> vector<1000x256xf32>
    %add3A_48 = arith.addf %add3A_46, %dot_general3A_47 : vector<1000x256xf32>
    %get3A_49 = arith.constant 0 : index
    %get3A_50 = arith.constant 0 : index
    %get3A_51 = vector.load %arg5[%get3A_49, %get3A_50] : memref<512x256xf32, #tpu.memory_space<vmem>>, vector<512x256xf32>
    %dot_general3A_52 = arith.constant dense<0.000000e+00> : vector<1000x512xf32>
    %dot_general3A_53 = tpu.matmul %add3A_48, %get3A_51, %dot_general3A_52 {dimension_numbers = #tpu.dot_dimension_numbers<[1], [1], [0], [0], [0, 0, 1, 0], [], []>, transpose_lhs_hint = false} : vector<1000x256xf32>, vector<512x256xf32>, vector<1000x512xf32> -> vector<1000x512xf32>
    %get3A_54 = arith.constant 0 : index
    %get3A_55 = arith.constant 0 : index
    %get3A_56 = vector.load %arg6[%get3A_54, %get3A_55] : memref<1x512xf32, #tpu.memory_space<vmem>>, vector<1x512xf32>
    %add3A_57 = vector.broadcast %get3A_56 : vector<1x512xf32> to vector<1000x512xf32>
    %add3A_58 = arith.addf %dot_general3A_53, %add3A_57 : vector<1000x512xf32>
    %max3A = arith.constant 0.000000e+00 : f32
    %max3A_59 = vector.broadcast %max3A : f32 to vector<1000x512xf32>
    %max3A_60 = arith.maximumf %add3A_58, %max3A_59 : vector<1000x512xf32>
    %get3A_61 = arith.constant 0 : index
    %get3A_62 = arith.constant 0 : index
    %get3A_63 = vector.load %arg7[%get3A_61, %get3A_62] : memref<256x512xf32, #tpu.memory_space<vmem>>, vector<256x512xf32>
    %dot_general3A_64 = arith.constant dense<0.000000e+00> : vector<1000x256xf32>
    %dot_general3A_65 = tpu.matmul %max3A_60, %get3A_63, %dot_general3A_64 {dimension_numbers = #tpu.dot_dimension_numbers<[1], [1], [0], [0], [0, 0, 1, 0], [], []>, transpose_lhs_hint = false} : vector<1000x512xf32>, vector<256x512xf32>, vector<1000x256xf32> -> vector<1000x256xf32>
    %get3A_66 = arith.constant 0 : index
    %get3A_67 = arith.constant 0 : index
    %get3A_68 = vector.load %arg8[%get3A_66, %get3A_67] : memref<1x256xf32, #tpu.memory_space<vmem>>, vector<1x256xf32>
    %add3A_69 = vector.broadcast %get3A_68 : vector<1x256xf32> to vector<1000x256xf32>
    %add3A_70 = arith.addf %dot_general3A_65, %add3A_69 : vector<1000x256xf32>
    %swap3A = arith.constant 0 : index
    %swap3A_71 = arith.constant 0 : index
    %swap3A_72 = vector.load %arg9[%swap3A, %swap3A_71] : memref<1000x256xf32, #tpu.memory_space<vmem>>, vector<1000x256xf32>
    tpu.vector_store %arg9[%swap3A, %swap3A_71], %add3A_70 {strides = array<i32>} : memref<1000x256xf32, #tpu.memory_space<vmem>>, vector<1000x256xf32>,
    return
  }
  func.func @transform_0(%arg0: i32) -> (i32, i32, i32) {
    %c0_i32 = arith.constant 0 : i32
    %c0_i32_0 = arith.constant 0 : i32
    %c0_i32_1 = arith.constant 0 : i32
    return %c0_i32, %arg0, %c0_i32_0 : i32, i32, i32
  }
  func.func @transform_1(%arg0: i32) -> (i32, i32, i32) {
    %c0_i32 = arith.constant 0 : i32
    %c0_i32_0 = arith.constant 0 : i32
    %c0_i32_1 = arith.constant 0 : i32
    return %c0_i32, %arg0, %c0_i32_0 : i32, i32, i32
  }
  func.func @transform_2(%arg0: i32) -> (i32, i32, i32) {
    %c0_i32 = arith.constant 0 : i32
    %c0_i32_0 = arith.constant 0 : i32
    %c0_i32_1 = arith.constant 0 : i32
    return %c0_i32, %arg0, %c0_i32_0 : i32, i32, i32
  }
  func.func @transform_3(%arg0: i32) -> (i32, i32) {
    %c0_i32 = arith.constant 0 : i32
    %c0_i32_0 = arith.constant 0 : i32
    %c0_i32_1 = arith.constant 0 : i32
    return %c0_i32, %c0_i32_0 : i32, i32
  }
  func.func @transform_4(%arg0: i32) -> (i32, i32) {
    %c0_i32 = arith.constant 0 : i32
    %c0_i32_0 = arith.constant 0 : i32
    %c0_i32_1 = arith.constant 0 : i32
    return %c0_i32, %c0_i32_0 : i32, i32
  }
  func.func @transform_5(%arg0: i32) -> (i32, i32) {
    %c0_i32 = arith.constant 0 : i32
    %c0_i32_0 = arith.constant 0 : i32
    %c0_i32_1 = arith.constant 0 : i32
    return %c0_i32, %c0_i32_0 : i32, i32
  }
  func.func @transform_6(%arg0: i32) -> (i32, i32) {
    %c0_i32 = arith.constant 0 : i32
    %c0_i32_0 = arith.constant 0 : i32
    %c0_i32_1 = arith.constant 0 : i32
    return %c0_i32, %c0_i32_0 : i32, i32
  }
  func.func @transform_7(%arg0: i32) -> (i32, i32) {
    %c0_i32 = arith.constant 0 : i32
    %c0_i32_0 = arith.constant 0 : i32
    %c0_i32_1 = arith.constant 0 : i32
    return %c0_i32, %c0_i32_0 : i32, i32
  }
  func.func @transform_8(%arg0: i32) -> (i32, i32) {
    %c0_i32 = arith.constant 0 : i32
    %c0_i32_0 = arith.constant 0 : i32
    return %arg0, %c0_i32 : i32, i32
  }
}

</mosaic_0001>

<sc_bundles>
// kernel: kernel.10.cloned.1.call-start
scs
__scs_entry_jumppad:
0x0: {  	(pc) =	sbr.rel $0x88, $3  }
0x1: {  	(tag) =	ssettag $0x0;
	lr =	simm.s32 $0x1  }
0x2: {  	[smem:$0x3F93] =	sst lr;
	_ =	strace $0xD0000000  }
0x3: {  	_ = 	snop  }
0x4: {  	_ = 	snop  }
0x5: {  	_ = 	snop  }
0x6: {  	_ = 	snop  }
0x7: {  	_ = 	snop  }
__scs_overlays_trampoline_lowered:
0x8: {  	[smem:$0x3FA2] =	sst s0  }
0x9: {  	[smem:$0x3FA3] =	sst s1  }
0xa: {  	[smem:$0x3FA4] =	sst s2  }
0xb: {  	[smem:$0x3FA5] =	sst s3  }
0xc: {  	[smem:$0x3FA6] =	sst s4  }
0xd: {  	[smem:$0x3FA7] =	sst s5  }
0xe: {  	[smem:$0x3FA8] =	sst s6  }
0xf: {  	[smem:$0x3FA9] =	sst s7  }
0x10: {  	[smem:$0x3FAA] =	sst s8  }
0x11: {  	[smem:$0x3FAB] =	sst s9;
	s0 =	simm.s32 @!p0 $0x0  }
0x12: {  	s1 =	sld [smem:$0x3F91];
	s0 =	simm.s32 @p0 $0x1  }
0x13: {  	[smem:$0x3FAC] =	sst s0;
	s0 =	simm.s32 @!p1 $0x0  }
0x14: {  	s2 =	sld [smem:$0x3F90];
	s0 =	simm.s32 @p1 $0x1  }
0x15: {  	[smem:$0x3FAD] =	sst s0;
	s0 =	simm.s32 @!p2 $0x0  }
0x16: {  	s3 =	sld [smem:$0x3FDB];
	s0 =	simm.s32 @p2 $0x1  }
0x17: {  	s4 =	simm.s32 $0x1BF5;
	[smem:$0x3FAF] =	sst s0  }
0x18: {  	s0 =	sld [smem:$0x3F92];
	_ =	swait.ge [sflag:s4], $0x0  }
0x19: {  	s7 =	sld [smem:$0x3F93]  }
0x1a: {  	s8 =	sadd.s32 $0xFFFFE003, lr  }
0x1b: {  	s9 =	sadd.s32 $0xFFFFFEF7, lr;
	s5 =	simm.s32 $0xFFFFFFFF;
	p2 =	slt.u32 s8, $0xFFFFF086  }
0x1c: {  	p1 =	slt.u32 s9, $0xF7A;
	s5 =	simm.s32 @!p2 $0x0  }
0x1d: {  	s5 =	simm.s32 @p1 $0x1;
	p0 =	seq.s32 s7, s2  }
0x1e: {  	s7 =	smul.u32 @!p0 $0xF7A, s2;
	p2 =	seq.s32 @!p0 s5, $0x0  }
0x1f: {  	s9 =	smul.u32 $0xF7A, s1;
	s8 =	simm.s32 @!p0 $0x1BF5;
	p2 =	por !p2, p0  }
0x20: {  	[sflag:s8] =	ssyncset.s32 @!p0 $0xFFFFF086;
	s6 =	sadd.s32 @!p0 s3, s7;
	s7 =	simm.s32 @!p0 $0x108  }
0x21: {  	s3 =	sadd.s32 s3, s9;
	s6 =	sadd.s32 @!p0 $0x88, s6;
	s7 =	simm.s32 @p2 $0x1082  }
0x22: {  	[simem:s7], [sflag:s8] =	dma.local @!p0 [hbm:s6], $0xF7A  }
0x23: {  	s9 =	sor.u32 $0xD0000000, s2;
	s6 =	simm.s32 $0x108;
	_ =	swait.ge @!p0 [sflag:s8], $0x0  }
0x24: {  	s3 =	sadd.s32 $0x88, s3;
	s6 =	simm.s32 @!p1 $0x1082;
	[sflag:s4] =	ssyncset.s32 $0xFFFFF086  }
0x25: {  	[simem:s6], [sflag:s4] =	dma.local [hbm:s3], $0xF7A  }
0x26: {  	[smem:$0x3F93] =	sst s1;
	(tag) =	ssettag s2;
	_ =	strace s9  }
0x27: {  	s1 =	sld [smem:$0x3FA3]  }
0x28: {  	s2 =	sld [smem:$0x3FA4]  }
0x29: {  	s4 =	sld [smem:$0x3FA6]  }
0x2a: {  	p0 =	seq.s32 s5, $0x0;
	s5 =	sld [smem:$0x3FA7]  }
0x2b: {  	s6 =	sld [smem:$0x3FA8]  }
0x2c: {  	s7 =	sld [smem:$0x3FA9]  }
0x2d: {  	s3 =	simm.s32 $0x108;
	s8 =	sld [smem:$0x3FAA]  }
0x2e: {  	s3 =	simm.s32 @!p0 $0x1082;
	s9 =	sld [smem:$0x3FAB]  }
0x2f: {  	lr =	sadd.s32 s0, s3;
	s0 =	sld [smem:$0x3FA2]  }
0x30: {  	s3 =	sld [smem:$0x3FA5]  }
0x31: {  	[smem:$0x3FAE] =	sst s10  }
0x32: {  	s10 =	sld [smem:$0x3FAC];
	_ =	sdelay $0x3  }
0x33: {  	p0 =	seq.s32 s10, $0x1;
	s10 =	sld [smem:$0x3FAE];
	_ =	sdelay $0x3  }
0x34: {  	[smem:$0x3FAE] =	sst s10  }
0x35: {  	s10 =	sld [smem:$0x3FAD];
	_ =	sdelay $0x3  }
0x36: {  	p1 =	seq.s32 s10, $0x1;
	s10 =	sld [smem:$0x3FAE];
	_ =	sdelay $0x3  }
0x37: {  	[smem:$0x3FAE] =	sst s10  }
0x38: {  	s10 =	sld [smem:$0x3FAF]  }
0x39: {  	_ = 	snop;
	(pc) =	sbr.ind lr, $3  }
0x3a: {  	_ = 	snop  }
0x3b: {  	_ = 	snop  }
0x3c: {  	p2 =	seq.s32 s10, $0x1;
	s10 =	sld [smem:$0x3FAE]  }
0x3d: {  	_ =	shalt  }
0x3e: {  	_ =	shalt  }
0x3f: {  	_ =	shalt  }
0x40: {  	_ =	shalt  }
0x41: {  	_ =	shalt  }
0x42: {  	_ =	shalt  }
0x43: {  	_ =	shalt  }
0x44: {  	_ =	shalt  }
0x45: {  	_ =	shalt  }
0x46: {  	_ =	shalt  }
0x47: {  	_ =	shalt  }
0x48: {  	_ =	shalt  }
0x49: {  	_ =	shalt  }
0x4a: {  	_ =	shalt  }
0x4b: {  	_ =	shalt  }
0x4c: {  	_ =	shalt  }
0x4d: {  	_ =	shalt  }
0x4e: {  	_ =	shalt  }
0x4f: {  	_ =	shalt  }
0x50: {  	_ =	shalt  }
0x51: {  	_ =	shalt  }
0x52: {  	_ =	shalt  }
0x53: {  	_ =	shalt  }
0x54: {  	_ =	shalt  }
0x55: {  	_ =	shalt  }
0x56: {  	_ =	shalt  }
0x57: {  	_ =	shalt  }
0x58: {  	_ =	shalt  }
0x59: {  	_ =	shalt  }
0x5a: {  	_ =	shalt  }
0x5b: {  	_ =	shalt  }
0x5c: {  	_ =	shalt  }
0x5d: {  	_ =	shalt  }
0x5e: {  	_ =	shalt  }
0x5f: {  	_ =	shalt  }
0x60: {  	_ =	shalt  }
0x61: {  	_ =	shalt  }
0x62: {  	_ =	shalt  }
0x63: {  	_ =	shalt  }
0x64: {  	_ =	shalt  }
0x65: {  	_ =	shalt  }
0x66: {  	_ =	shalt  }
0x67: {  	_ =	shalt  }
0x68: {  	_ =	shalt  }
0x69: {  	_ =	shalt  }
0x6a: {  	_ =	shalt  }
0x6b: {  	_ =	shalt  }
0x6c: {  	_ =	shalt  }
0x6d: {  	_ =	shalt  }
0x6e: {  	_ =	shalt  }
0x6f: {  	_ =	shalt  }
0x70: {  	_ =	shalt  }
0x71: {  	_ =	shalt  }
0x72: {  	_ =	shalt  }
0x73: {  	_ =	shalt  }
0x74: {  	_ =	shalt  }
0x75: {  	_ =	shalt  }
0x76: {  	_ =	shalt  }
0x77: {  	_ =	shalt  }
0x78: {  	_ =	shalt  }
0x79: {  	_ =	shalt  }
0x7a: {  	_ =	shalt  }
0x7b: {  	_ =	shalt  }
0x7c: {  	_ =	shalt  }
0x7d: {  	_ =	shalt  }
0x7e: {  	_ =	shalt  }
0x7f: {  	_ =	shalt  }
0x80: {  	_ =	shalt  }
0x81: {  	_ =	shalt  }
0x82: {  	_ =	shalt  }
0x83: {  	_ =	shalt  }
0x84: {  	_ =	shalt  }
0x85: {  	_ =	shalt  }
0x86: {  	_ =	shalt  }
0x87: {  	_ =	shalt  }
.Lfunc_end0:
.L_simem_size_0:
called_computation.1_lowered:
.L_overlay_start_0:
0x88: {  	s2 =	sld [smem:$0x3FD9]  }
0x89: {  	s3 =	sld [smem:$0x3FFE];
	_ =	sdelay $0x1  }
0x8a: {  	s1 =	srdreg.scid  }
0x8b: {  	s0 =	sand.u32 $0x1, s1  }
0x8c: {  	s16 =	sshll.u32 s0, $0xA;
	s2 =	sadd.s32 s3, s2  }
0x8d: {  	s2 =	sadd.s32 s2, s16  }
0x8e: {  	[smem:$0x3FBA] =	sst s2  }
0x8f: {  	_ = 	snop  }
0x90: {  	(tm) =	ssettm $0x1  }
0x91: {  	s17 =	sld [smem:$0x3FFB];
	_ =	sdelay $0x3  }
0x92: {  	_ =	strace s17  }
0x93: {  	s2 =	sld [smem:$0x3FFC];
	_ =	sdelay $0x3  }
0x94: {  	_ =	strace s2  }
0x95: {  	s2 =	sld [smem:$0x3FFD];
	_ =	sdelay $0x3  }
0x96: {  	_ =	strace s2  }
0x97: {  	_ =	strace $0x8FFFFFFF  }
0x98: {  	s18 =	sld [smem:$0x3FDB];
	_ =	sdelay $0x1  }
0x99: {  	s19 =	simm.s32 $_scs_section_size  }
0x9a: {  	s4 =	simm.s32 $_size__tile_overlayer_lowered;
	s5 =	simm.s32 $_tile_overlayer_lowered  }
0x9b: {  	s22 =	simm.s32 $0x1BFF;
	s21 =	sshll.u32 s5, $0x1;
	s2 =	sadd.s32 s19, s18  }
0x9c: {  	s6 =	simm.s32 $0x0;
	s20 =	sshll.u32 s4, $0x1;
	s4 =	sadd.s32 s21, s2  }
0x9d: {  	[timem:s6], [sflag:s22] =	dma.local [hbm:s4], s20  }
0x9e: {  	_ =	swait.ge [sflag:s22], s20  }
0x9f: {  	s3 =	ssub.s32 $0x0, s20;
	[sflag:s22] =	ssyncset.done $0x0  }
0xa0: {  	[sflag:s22] =	ssyncadd.s32 s3;
	_ =	sdelay $0x1  }
0xa1: {  	s23 =	simm.s32 $0x1B8B  }
0xa2: {  	_ =	swait.ge [sflag:s23], $0x1  }
0xa3: {  	[sflag:s23] =	ssyncset.done $0x0  }
0xa4: {  	s25 =	simm.s32 $0x1B8E;
	s24 =	sld [smem:$0x3FFE];
	[sflag:s23] =	ssyncadd.s32 $0xFFFFFFFF  }
0xa5: {  	s26 =	simm.s32 $execute0_lowered;
	[smem:$0x3FD2] =	sst s25  }
0xa6: {  	s4 =	sshll.u32 s26, $0x1;
	_ =	strace $0x80000049;
	[dreg:$0x1] =	wrdreg $0xFFFFFFFF  }
0xa7: {  	s28 =	simm.s32 $_size_execute0_lowered;
	s2 =	sadd.s32 s2, s4;
	[dreg:$0x0] =	wrdreg $0x0  }
0xa8: {  	s4 =	sshll.u32 s28, $0x1;
	[dreg:$0x2] =	wrdreg s2  }
0xa9: {  	[dreg:$0x3] =	wrdreg s4  }
0xaa: {  	[dreg:$0x4] =	wrdreg $0xC0  }
0xab: {  	_ =	task [dreg:s6], $0x5FFFF  }
0xac: {  	[dreg:$0x1] =	wrdreg $0xFFFFFFFF  }
0xad: {  	[dreg:$0x0] =	wrdreg $0x60  }
0xae: {  	[dreg:$0x2] =	wrdreg s24  }
0xaf: {  	[dreg:$0x3] =	wrdreg $0x40800  }
0xb0: {  	[dreg:$0x4] =	wrdreg $0x9  }
0xb1: {  	_ =	task.clear_ibuf [dreg:s6], $0x5FFFF;
	_ =	strace $0x90000049  }
0xb2: {  	s29 =	simm.s32 $0x9;
	_ =	strace $0x8000004B  }
0xb3: {  	_ =	swait.ge [sflag:s29], $0x1  }
0xb4: {  	[sflag:s29] =	ssyncadd.s32 $0xFFFFFFFF  }
0xb5: {  	_ =	strace $0x9000004B  }
0xb6: {  	_ =	sfence  }
0xb7: {  	s30 =	sld [smem:$0x0];
	_ =	sdelay $0x2  }
0xb8: {  	s31 =	sshll.u32 s1, $0xD;
	s1 =	sshrl.u32 s1, $0x2  }
0xb9: {  	s3 =	sand.u32 $0x4000, s31;
	s1 =	sadd.s32 s1, s30  }
0xba: {  	s0 =	sor.u32 s3, s0;
	s1 =	sshll.u32 s1, $0x11  }
0xbb: {  	s0 =	sor.u32 s1, s0  }
0xbc: {  	s0 =	sadd.s32 $0x8F2B, s0  }
0xbd: {  	[sflag:s0] =	ssyncadd.remote.s32 $0x1  }
0xbe: {  	_ =	sfence.sel $0xFFFF  }
0xbf: {  	[dreg:$0x0] =	wrdreg $0xFFFFFFFF;
	(pc) =	sbr.abs _section_cstart, $3  }
0xc0: {  	[dreg:$0x1] =	wrdreg $0xFFFFFFFF  }
0xc1: {  	_ =	task.clear_ibuf [dreg:s6], $0x2FFFF;
	_ =	strace $0x9FFFFFFF  }
0xc2: {  	(tm) =	ssettm $0x7FFFFFFF  }
0xc3: {  	_ =	shalt  }
tec
execute0_lowered:
.L_overlay_start_1:
0x0: {  	(tag) =	ssettag $0x1  }
0x1: {  	s3 =	srdreg.scid  }
0x2: {  	s14 =	sand.u32 $0x1, s3  }
0x3: {  	s3 =	stileid.u32;
	s5 =	smul.u32 $0x140000, s14  }
0x4: {  	s6 =	rddreg [dreg:$0x0];
	s11 =	smul.u32 $0x278, s3  }
0x5: {  	s1 =	rddreg [dreg:$0x1];
	s9 =	smul.u32 $0x4F000, s3  }
0x6: {  	s0 =	rddreg [dreg:$0x2];
	s2 =	simm.s32 $0x0;
	s20 =	smul.u32 $0x2780, s14  }
0x7: {  	[smem:$0x7FF] =	sst s2;
	s4 =	sadd.s32 $0x3400, s6;
	s21 =	smul.u32 $0x14000, s3  }
0x8: {  	s15 =	sadd.s32 $0x6BC00, s6;
	s7 =	ssub.s32 $0x2, s14;
	s26 =	smul.u32 $0x2800, s14  }
0x9: {  	_ =	strace $0x8000004A;
	s30 =	smul.u32 $0x280, s3;
	s8 =	sshrl.u32 s7, $0x1  }
0xa: {  	s16 =	sadd.s32 s5, s6;
	s5 =	sadd.s32 $0x1C400, s6;
	s17 =	ssub.s32 s7, s8  }
0xb: {  	s12 =	sadd.s32 $0x80, s11;
	s22 =	sshrl.u32 s9, $0x2;
	s13 =	sadd.s32 $0x100, s11  }
0xc: {  	s18 =	sadd.s32 $0x180, s11;
	s19 =	sadd.s32 $0x200, s11;
	s11 =	sadd.s32 s11, s20  }
0xd: {  	s23 =	sshll.u32 s12, $0x7;
	s6 =	sadd.s32 s22, s1;
	s24 =	sshll.u32 s13, $0x7  }
0xe: {  	s25 =	sshll.u32 s18, $0x7;
	s10 =	sshll.u32 s19, $0x7;
	s11 =	sshll.u32 s11, $0x4  }
0xf: {  	s12 =	sadd.s32 s20, s12;
	s13 =	sadd.s32 s20, s13;
	s18 =	sadd.s32 s20, s18  }
0x10: {  	s19 =	sadd.s32 s20, s19;
	s31 =	sadd.s32 s21, s16;
	s16 =	smax.u32 s17, $0x1  }
0x11: {  	s20 =	simm.s32 $0x1;
	s21 =	simm.s32 $0x0;
	s7 =	sadd.s32 s23, s1  }
0x12: {  	s8 =	sadd.s32 s24, s1;
	s9 =	sadd.s32 s25, s1;
	s10 =	sadd.s32 s10, s1  }
0x13: {  	s11 =	sadd.s32 s15, s11;
	s12 =	sshll.u32 s12, $0x4;
	s13 =	sshll.u32 s13, $0x4  }
0x14: {  	s28 =	sshll.u32 s18, $0x4;
	s29 =	sshll.u32 s19, $0x4;
	s17 =	sadd.s32 $0x55CC00, s31  }
0x15: {  	s18 =	sadd.s32 s30, s26;
	s19 =	simm.s32 $0x80;
	s12 =	sadd.s32 s15, s12  }
0x16: {  	s13 =	sadd.s32 s15, s13;
	s14 =	sadd.s32 s15, s28;
	s15 =	sadd.s32 s15, s29  }
.LBB2_1:
0x17: {  	[tilespmem:s19], [sflag:$0x1] =	stream.linear.gather [hbm4b:s5+s2], $0x4000, $0x38;
	[tilespmem:$0x17C80] =	vst v63  }
0x18: {  	_ =	swait.ge [sflag:s20], $0x4000  }
0x19: {  	[sflag:s20] =	ssyncset.done $0x0  }
0x1a: {  	[sflag:s20] =	ssyncadd.s32 $0xFFFFC000  }
0x1b: {  	[spmem:s6] =	stream.linear.scatter [tilespmem:s19], [sflag:$0x1], $0x4000, $0x38;
	[tilespmem:$0x17C80] =	vst v63  }
0x1c: {  	_ =	swait.ge [sflag:s20], $0x4000  }
0x1d: {  	[sflag:s20] =	ssyncset.done $0x0  }
0x1e: {  	[sflag:s20] =	ssyncadd.s32 $0xFFFFC000  }
0x1f: {  	[spmem:s7] =	stream.linear.scatter [tilespmem:s19], [sflag:$0x1], $0x4000, $0x38;
	[tilespmem:$0x17C80] =	vst v63  }
0x20: {  	_ =	swait.ge [sflag:s20], $0x4000  }
0x21: {  	[sflag:s20] =	ssyncset.done $0x0  }
0x22: {  	[sflag:s20] =	ssyncadd.s32 $0xFFFFC000  }
0x23: {  	[spmem:s8] =	stream.linear.scatter [tilespmem:s19], [sflag:$0x1], $0x4000, $0x38;
	[tilespmem:$0x17C80] =	vst v63  }
0x24: {  	_ =	swait.ge [sflag:s20], $0x4000  }
0x25: {  	[sflag:s20] =	ssyncset.done $0x0  }
0x26: {  	[sflag:s20] =	ssyncadd.s32 $0xFFFFC000  }
0x27: {  	[spmem:s9] =	stream.linear.scatter [tilespmem:s19], [sflag:$0x1], $0x4000, $0x38;
	[tilespmem:$0x17C80] =	vst v63  }
0x28: {  	_ =	swait.ge [sflag:s20], $0x4000  }
0x29: {  	[sflag:s20] =	ssyncset.done $0x0  }
0x2a: {  	[sflag:s20] =	ssyncadd.s32 $0xFFFFC000  }
0x2b: {  	[spmem:s10] =	stream.linear.scatter [tilespmem:s19], [sflag:$0x1], $0x3C00, $0x38;
	[tilespmem:$0x17C80] =	vst v63  }
0x2c: {  	_ =	swait.ge [sflag:s20], $0x3C00  }
0x2d: {  	s22 =	sadd.s32 $0x0, s18;
	s23 =	sand.u32 $0x70, s2;
	[sflag:s20] =	ssyncset.done $0x0  }
0x2e: {  	s22 =	sand.u32 $0xFFFFF80, s22;
	s23 =	sadd.s32 s4, s23;
	[sflag:s20] =	ssyncadd.s32 $0xFFFFC400  }
0x2f: {  	s22 =	sadd.s32 s22, s23;
	[bflag:$0x0] =	sbarrier.arrive $0xFFFF  }
0x30: {  	[tilespmem:s2], [sflag:$0x1] =	stream.linear.gather [hbm4b:s22+s2], $0x80, $0x38;
	[tilespmem:$0x17C80] =	vst v63  }
0x31: {  	_ =	swait.ge [sflag:s20], $0x80  }
0x32: {  	[sflag:s20] =	ssyncset.done $0x0  }
0x33: {  	[sflag:s20] =	ssyncadd.s32 $0xFFFFFF80  }
0x34: {  	[tilespmem:s19], [sflag:$0x1] =	stream.linear.gather [hbm4b:s17+s2], $0x4000, $0x38;
	[tilespmem:$0x17C80] =	vst v63  }
0x35: {  	_ =	swait.ge [sflag:s20], $0x4000  }
0x36: {  	s24 =	simm.s32 $0x10;
	[sflag:s20] =	ssyncset.done $0x0  }
0x37: {  	s25 =	sadd.s32 $0x10, s18;
	s26 =	sand.u32 $0x70, s24;
	[sflag:s20] =	ssyncadd.s32 $0xFFFFC000  }
0x38: {  	[spmem:s1] =	stream.indirect.scatter.add.f32 [tilespmem:s19], [sflag:$0x1], $0x80, s2, s19, $0xb8;
	[tilespmem:$0x17C80] =	vst v63  }
0x39: {  	s24 =	sand.u32 $0xFFFFF80, s25;
	s23 =	simm.s32 $0x20;
	_ =	swait.ge [sflag:s20], $0x4000  }
0x3a: {  	s25 =	sadd.s32 s4, s26;
	s22 =	sadd.s32 $0x800, s17;
	[sflag:s20] =	ssyncset.done $0x0  }
.LBB2_2:
0x3b: {  	s24 =	sadd.s32 s24, s25  }
0x3c: {  	[sflag:s20] =	ssyncadd.s32 $0xFFFFC000;
	s25 =	smov.u32 s23;
	s26 =	sadd.s32 $0x10, s23  }
0x3d: {  	[tilespmem:s2], [sflag:$0x1] =	stream.linear.gather [hbm4b:s24+s2], $0x80, $0x38;
	[tilespmem:$0x17C80] =	vst v63  }
0x3e: {  	p0 =	sne.s32 s23, $0x270;
	_ =	swait.ge [sflag:s20], $0x80  }
0x3f: {  	[sflag:s20] =	ssyncset.done $0x0  }
0x40: {  	[sflag:s20] =	ssyncadd.s32 $0xFFFFFF80  }
0x41: {  	[tilespmem:s19], [sflag:$0x1] =	stream.linear.gather [hbm4b:s22+s2], $0x4000, $0x38;
	[tilespmem:$0x17C80] =	vst v63  }
0x42: {  	_ =	swait.ge [sflag:s20], $0x4000  }
.Ltmp0:
0x43: {  	[sflag:s20] =	ssyncset.done $0x0;
	(pc) =	sbr.rel @p0 .LBB2_2-.Ltmp0, $4  }
0x44: {  	s23 =	sadd.s32 s25, s18;
	s22 =	sadd.s32 $0x800, s22;
	[sflag:s20] =	ssyncadd.s32 $0xFFFFC000  }
0x45: {  	[spmem:s1] =	stream.indirect.scatter.add.f32 [tilespmem:s19], [sflag:$0x1], $0x80, s2, s19, $0xb8;
	[tilespmem:$0x17C80] =	vst v63  }
0x46: {  	s25 =	sand.u32 $0x70, s25;
	s24 =	sand.u32 $0xFFFFF80, s23;
	_ =	swait.ge [sflag:s20], $0x4000  }
0x47: {  	s25 =	sadd.s32 s4, s25;
	s23 =	smov.u32 s26;
	[sflag:s20] =	ssyncset.done $0x0  }
0x48: {  	s23 =	sadd.s32 s24, s25;
	[sflag:s20] =	ssyncadd.s32 $0xFFFFC000  }
0x49: {  	[tilespmem:s2], [sflag:$0x1] =	stream.linear.gather [hbm4b:s23+s2], $0x80, $0x38;
	[tilespmem:$0x17C80] =	vst v63  }
0x4a: {  	_ =	swait.ge [sflag:s20], $0x80  }
0x4b: {  	[sflag:s20] =	ssyncset.done $0x0  }
0x4c: {  	[sflag:s20] =	ssyncadd.s32 $0xFFFFFF80  }
0x4d: {  	[tilespmem:s19], [sflag:$0x1] =	stream.linear.gather [hbm4b:s22+s2], $0x4000, $0x38;
	[tilespmem:$0x17C80] =	vst v63  }
0x4e: {  	_ =	swait.ge [sflag:s20], $0x4000  }
0x4f: {  	[sflag:s20] =	ssyncset.done $0x0  }
0x50: {  	[sflag:s20] =	ssyncadd.s32 $0xFFFFC000  }
0x51: {  	[spmem:s1] =	stream.indirect.scatter.add.f32 [tilespmem:s19], [sflag:$0x1], $0x80, s2, s19, $0xb8;
	[tilespmem:$0x17C80] =	vst v63  }
0x52: {  	_ =	swait.ge [sflag:s20], $0x4000  }
0x53: {  	[sflag:s20] =	ssyncset.done $0x0  }
0x54: {  	[sflag:s20] =	ssyncadd.s32 $0xFFFFC000  }
0x55: {  	[bflag:$0x0] =	sbarrier.arrive $0xFFFF  }
0x56: {  	[tilespmem:s19], [sflag:$0x1] =	stream.linear.gather [spmem:s6], $0x4000, $0x38;
	[tilespmem:$0x17C80] =	vst v63  }
0x57: {  	_ =	swait.ge [sflag:s20], $0x4000  }
0x58: {  	[sflag:s20] =	ssyncset.done $0x0  }
0x59: {  	[sflag:s20] =	ssyncadd.s32 $0xFFFFC000  }
0x5a: {  	[hbm4b:s11+s2] =	stream.linear.scatter [tilespmem:s19], [sflag:$0x1], $0x4000, $0x38;
	[tilespmem:$0x17C80] =	vst v63  }
0x5b: {  	_ =	swait.ge [sflag:s20], $0x4000  }
0x5c: {  	[sflag:s20] =	ssyncset.done $0x0  }
0x5d: {  	[sflag:s20] =	ssyncadd.s32 $0xFFFFC000  }
0x5e: {  	[tilespmem:s19], [sflag:$0x1] =	stream.linear.gather [spmem:s7], $0x4000, $0x38;
	[tilespmem:$0x17C80] =	vst v63  }
0x5f: {  	_ =	swait.ge [sflag:s20], $0x4000  }
0x60: {  	[sflag:s20] =	ssyncset.done $0x0  }
0x61: {  	[sflag:s20] =	ssyncadd.s32 $0xFFFFC000  }
0x62: {  	[hbm4b:s12+s2] =	stream.linear.scatter [tilespmem:s19], [sflag:$0x1], $0x4000, $0x38;
	[tilespmem:$0x17C80] =	vst v63  }
0x63: {  	_ =	swait.ge [sflag:s20], $0x4000  }
0x64: {  	[sflag:s20] =	ssyncset.done $0x0  }
0x65: {  	[sflag:s20] =	ssyncadd.s32 $0xFFFFC000  }
0x66: {  	[tilespmem:s19], [sflag:$0x1] =	stream.linear.gather [spmem:s8], $0x4000, $0x38;
	[tilespmem:$0x17C80] =	vst v63  }
0x67: {  	_ =	swait.ge [sflag:s20], $0x4000  }
0x68: {  	[sflag:s20] =	ssyncset.done $0x0  }
0x69: {  	[sflag:s20] =	ssyncadd.s32 $0xFFFFC000  }
0x6a: {  	[hbm4b:s13+s2] =	stream.linear.scatter [tilespmem:s19], [sflag:$0x1], $0x4000, $0x38;
	[tilespmem:$0x17C80] =	vst v63  }
0x6b: {  	_ =	swait.ge [sflag:s20], $0x4000  }
0x6c: {  	[sflag:s20] =	ssyncset.done $0x0  }
0x6d: {  	[sflag:s20] =	ssyncadd.s32 $0xFFFFC000  }
0x6e: {  	[tilespmem:s19], [sflag:$0x1] =	stream.linear.gather [spmem:s9], $0x4000, $0x38;
	[tilespmem:$0x17C80] =	vst v63  }
0x6f: {  	_ =	swait.ge [sflag:s20], $0x4000  }
0x70: {  	[sflag:s20] =	ssyncset.done $0x0  }
0x71: {  	[sflag:s20] =	ssyncadd.s32 $0xFFFFC000  }
0x72: {  	[hbm4b:s14+s2] =	stream.linear.scatter [tilespmem:s19], [sflag:$0x1], $0x4000, $0x38;
	[tilespmem:$0x17C80] =	vst v63  }
0x73: {  	_ =	swait.ge [sflag:s20], $0x4000  }
0x74: {  	[sflag:s20] =	ssyncset.done $0x0  }
0x75: {  	[sflag:s20] =	ssyncadd.s32 $0xFFFFC000  }
0x76: {  	[tilespmem:s19], [sflag:$0x1] =	stream.linear.gather [spmem:s10], $0x3C00, $0x38;
	[tilespmem:$0x17C80] =	vst v63  }
0x77: {  	s21 =	sadd.s32 $0x1, s21;
	_ =	swait.ge [sflag:s20], $0x3C00  }
0x78: {  	p0 =	sne.s32 s21, s16;
	[sflag:s20] =	ssyncset.done $0x0  }
.Ltmp1:
0x79: {  	[sflag:s20] =	ssyncadd.s32 $0xFFFFC400;
	(pc) =	sbr.rel @p0 .LBB2_1-.Ltmp1, $4  }
0x7a: {  	[hbm4b:s15+s2] =	stream.linear.scatter [tilespmem:s19], [sflag:$0x1], $0x3C00, $0x38;
	[tilespmem:$0x17C80] =	vst v63  }
0x7b: {  	_ =	swait.ge [sflag:s20], $0x3C00  }
0x7c: {  	[sflag:s20] =	ssyncset.done $0x0  }
0x7d: {  	[sflag:s20] =	ssyncadd.s32 $0xFFFFC400  }
0x7e: {  	_ =	sfence.sel $0x180000  }
0x7f: {  	[bflag:$0x0] =	sbarrier.arrive $0xFFFF  }
0x80: {  	p0 =	sne.s32 s3, $0x0;
	_ =	strace $0x9000004A  }
0x81: {  	s0 =	sadd.s32 @!p0 $0x100000, s0;
	[bflag:$0x2] =	sbarrier.arrive $0xFFFF  }
0x82: {  	[sflag:s0] =	ssyncadd.tile.s32 @!p0 $0x1;
	_ =	shalt  }
.Lfunc_end2:
_tile_overlayer_lowered:
.L_overlay_start_2:
0x83: {  	(tag) =	ssettag $0x2  }
0x84: {  	s0 =	rddreg [dreg:$0x0];
	s2 =	stileid.u32  }
0x85: {  	s1 =	rddreg [dreg:$0x1];
	p0 =	sne.s32 s2, $0x0  }
0x86: {  	s3 =	rddreg [dreg:$0x2];
	[bflag:$0x3] =	sbarrier.arrive $0xFFFF;
	s2 =	simm.s32 @!p0 $0x1C01  }
0x87: {  	[timem:s3], [sflag:s2] =	dma.local @!p0 [hbm:s0], s1  }
0x88: {  	s0 =	simm.s32 @!p0 $0x1  }
0x89: {  	_ =	swait.ge @!p0 [sflag:s0], s1  }
0x8a: {  	s1 =	ssub.s32 @!p0 $0x0, s1;
	[sflag:s0] =	ssyncset.done @!p0 $0x0  }
0x8b: {  	[sflag:s0] =	ssyncadd.s32 @!p0 s1  }
0x8c: {  	[bflag:$0x3] =	sbarrier.arrive $0xFFFF  }
0x8d: {  	_ =	shalt  }

// kernel: kernel.7.cloned.1.call-start
scs
__scs_entry_jumppad:
0x0: {  	(pc) =	sbr.rel $0x88, $3  }
0x1: {  	(tag) =	ssettag $0x0;
	lr =	simm.s32 $0x1  }
0x2: {  	[smem:$0x3F93] =	sst lr;
	_ =	strace $0xD0000000  }
0x3: {  	_ = 	snop  }
0x4: {  	_ = 	snop  }
0x5: {  	_ = 	snop  }
0x6: {  	_ = 	snop  }
0x7: {  	_ = 	snop  }
__scs_overlays_trampoline_lowered:
0x8: {  	[smem:$0x3FA2] =	sst s0  }
0x9: {  	[smem:$0x3FA3] =	sst s1  }
0xa: {  	[smem:$0x3FA4] =	sst s2  }
0xb: {  	[smem:$0x3FA5] =	sst s3  }
0xc: {  	[smem:$0x3FA6] =	sst s4  }
0xd: {  	[smem:$0x3FA7] =	sst s5  }
0xe: {  	[smem:$0x3FA8] =	sst s6  }
0xf: {  	[smem:$0x3FA9] =	sst s7  }
0x10: {  	[smem:$0x3FAA] =	sst s8  }
0x11: {  	[smem:$0x3FAB] =	sst s9;
	s0 =	simm.s32 @!p0 $0x0  }
0x12: {  	s1 =	sld [smem:$0x3F91];
	s0 =	simm.s32 @p0 $0x1  }
0x13: {  	[smem:$0x3FAC] =	sst s0;
	s0 =	simm.s32 @!p1 $0x0  }
0x14: {  	s2 =	sld [smem:$0x3F90];
	s0 =	simm.s32 @p1 $0x1  }
0x15: {  	[smem:$0x3FAD] =	sst s0;
	s0 =	simm.s32 @!p2 $0x0  }
0x16: {  	s3 =	sld [smem:$0x3FDB];
	s0 =	simm.s32 @p2 $0x1  }
0x17: {  	s4 =	simm.s32 $0x1BF5;
	[smem:$0x3FAF] =	sst s0  }
0x18: {  	s0 =	sld [smem:$0x3F92];
	_ =	swait.ge [sflag:s4], $0x0  }
0x19: {  	s7 =	sld [smem:$0x3F93]  }
0x1a: {  	s8 =	sadd.s32 $0xFFFFE003, lr  }
0x1b: {  	s9 =	sadd.s32 $0xFFFFFEF7, lr;
	s5 =	simm.s32 $0xFFFFFFFF;
	p2 =	slt.u32 s8, $0xFFFFF086  }
0x1c: {  	p1 =	slt.u32 s9, $0xF7A;
	s5 =	simm.s32 @!p2 $0x0  }
0x1d: {  	s5 =	simm.s32 @p1 $0x1;
	p0 =	seq.s32 s7, s2  }
0x1e: {  	s7 =	smul.u32 @!p0 $0xF7A, s2;
	p2 =	seq.s32 @!p0 s5, $0x0  }
0x1f: {  	s9 =	smul.u32 $0xF7A, s1;
	s8 =	simm.s32 @!p0 $0x1BF5;
	p2 =	por !p2, p0  }
0x20: {  	[sflag:s8] =	ssyncset.s32 @!p0 $0xFFFFF086;
	s6 =	sadd.s32 @!p0 s3, s7;
	s7 =	simm.s32 @!p0 $0x108  }
0x21: {  	s3 =	sadd.s32 s3, s9;
	s6 =	sadd.s32 @!p0 $0x88, s6;
	s7 =	simm.s32 @p2 $0x1082  }
0x22: {  	[simem:s7], [sflag:s8] =	dma.local @!p0 [hbm:s6], $0xF7A  }
0x23: {  	s9 =	sor.u32 $0xD0000000, s2;
	s6 =	simm.s32 $0x108;
	_ =	swait.ge @!p0 [sflag:s8], $0x0  }
0x24: {  	s3 =	sadd.s32 $0x88, s3;
	s6 =	simm.s32 @!p1 $0x1082;
	[sflag:s4] =	ssyncset.s32 $0xFFFFF086  }
0x25: {  	[simem:s6], [sflag:s4] =	dma.local [hbm:s3], $0xF7A  }
0x26: {  	[smem:$0x3F93] =	sst s1;
	(tag) =	ssettag s2;
	_ =	strace s9  }
0x27: {  	s1 =	sld [smem:$0x3FA3]  }
0x28: {  	s2 =	sld [smem:$0x3FA4]  }
0x29: {  	s4 =	sld [smem:$0x3FA6]  }
0x2a: {  	p0 =	seq.s32 s5, $0x0;
	s5 =	sld [smem:$0x3FA7]  }
0x2b: {  	s6 =	sld [smem:$0x3FA8]  }
0x2c: {  	s7 =	sld [smem:$0x3FA9]  }
0x2d: {  	s3 =	simm.s32 $0x108;
	s8 =	sld [smem:$0x3FAA]  }
0x2e: {  	s3 =	simm.s32 @!p0 $0x1082;
	s9 =	sld [smem:$0x3FAB]  }
0x2f: {  	lr =	sadd.s32 s0, s3;
	s0 =	sld [smem:$0x3FA2]  }
0x30: {  	s3 =	sld [smem:$0x3FA5]  }
0x31: {  	[smem:$0x3FAE] =	sst s10  }
0x32: {  	s10 =	sld [smem:$0x3FAC];
	_ =	sdelay $0x3  }
0x33: {  	p0 =	seq.s32 s10, $0x1;
	s10 =	sld [smem:$0x3FAE];
	_ =	sdelay $0x3  }
0x34: {  	[smem:$0x3FAE] =	sst s10  }
0x35: {  	s10 =	sld [smem:$0x3FAD];
	_ =	sdelay $0x3  }
0x36: {  	p1 =	seq.s32 s10, $0x1;
	s10 =	sld [smem:$0x3FAE];
	_ =	sdelay $0x3  }
0x37: {  	[smem:$0x3FAE] =	sst s10  }
0x38: {  	s10 =	sld [smem:$0x3FAF]  }
0x39: {  	_ = 	snop;
	(pc) =	sbr.ind lr, $3  }
0x3a: {  	_ = 	snop  }
0x3b: {  	_ = 	snop  }
0x3c: {  	p2 =	seq.s32 s10, $0x1;
	s10 =	sld [smem:$0x3FAE]  }
0x3d: {  	_ =	shalt  }
0x3e: {  	_ =	shalt  }
0x3f: {  	_ =	shalt  }
0x40: {  	_ =	shalt  }
0x41: {  	_ =	shalt  }
0x42: {  	_ =	shalt  }
0x43: {  	_ =	shalt  }
0x44: {  	_ =	shalt  }
0x45: {  	_ =	shalt  }
0x46: {  	_ =	shalt  }
0x47: {  	_ =	shalt  }
0x48: {  	_ =	shalt  }
0x49: {  	_ =	shalt  }
0x4a: {  	_ =	shalt  }
0x4b: {  	_ =	shalt  }
0x4c: {  	_ =	shalt  }
0x4d: {  	_ =	shalt  }
0x4e: {  	_ =	shalt  }
0x4f: {  	_ =	shalt  }
0x50: {  	_ =	shalt  }
0x51: {  	_ =	shalt  }
0x52: {  	_ =	shalt  }
0x53: {  	_ =	shalt  }
0x54: {  	_ =	shalt  }
0x55: {  	_ =	shalt  }
0x56: {  	_ =	shalt  }
0x57: {  	_ =	shalt  }
0x58: {  	_ =	shalt  }
0x59: {  	_ =	shalt  }
0x5a: {  	_ =	shalt  }
0x5b: {  	_ =	shalt  }
0x5c: {  	_ =	shalt  }
0x5d: {  	_ =	shalt  }
0x5e: {  	_ =	shalt  }
0x5f: {  	_ =	shalt  }
0x60: {  	_ =	shalt  }
0x61: {  	_ =	shalt  }
0x62: {  	_ =	shalt  }
0x63: {  	_ =	shalt  }
0x64: {  	_ =	shalt  }
0x65: {  	_ =	shalt  }
0x66: {  	_ =	shalt  }
0x67: {  	_ =	shalt  }
0x68: {  	_ =	shalt  }
0x69: {  	_ =	shalt  }
0x6a: {  	_ =	shalt  }
0x6b: {  	_ =	shalt  }
0x6c: {  	_ =	shalt  }
0x6d: {  	_ =	shalt  }
0x6e: {  	_ =	shalt  }
0x6f: {  	_ =	shalt  }
0x70: {  	_ =	shalt  }
0x71: {  	_ =	shalt  }
0x72: {  	_ =	shalt  }
0x73: {  	_ =	shalt  }
0x74: {  	_ =	shalt  }
0x75: {  	_ =	shalt  }
0x76: {  	_ =	shalt  }
0x77: {  	_ =	shalt  }
0x78: {  	_ =	shalt  }
0x79: {  	_ =	shalt  }
0x7a: {  	_ =	shalt  }
0x7b: {  	_ =	shalt  }
0x7c: {  	_ =	shalt  }
0x7d: {  	_ =	shalt  }
0x7e: {  	_ =	shalt  }
0x7f: {  	_ =	shalt  }
0x80: {  	_ =	shalt  }
0x81: {  	_ =	shalt  }
0x82: {  	_ =	shalt  }
0x83: {  	_ =	shalt  }
0x84: {  	_ =	shalt  }
0x85: {  	_ =	shalt  }
0x86: {  	_ =	shalt  }
0x87: {  	_ =	shalt  }
.Lfunc_end0:
.L_simem_size_0:
called_computation_lowered:
.L_overlay_start_0:
0x88: {  	s2 =	sld [smem:$0x3FD9]  }
0x89: {  	s3 =	sld [smem:$0x3FFE];
	_ =	sdelay $0x1  }
0x8a: {  	s1 =	srdreg.scid  }
0x8b: {  	s0 =	sand.u32 $0x1, s1  }
0x8c: {  	s17 =	sshll.u32 s0, $0xA;
	s2 =	sadd.s32 s3, s2  }
0x8d: {  	s2 =	sadd.s32 s2, s17  }
0x8e: {  	[smem:$0x3FBA] =	sst s2  }
0x8f: {  	_ = 	snop  }
0x90: {  	s2 =	sld [smem:$0x3FD0];
	(tm) =	ssettm $0x1  }
0x91: {  	s18 =	sld [smem:$0x3FFB];
	_ =	sdelay $0x3  }
0x92: {  	_ =	strace s18  }
0x93: {  	s3 =	sld [smem:$0x3FFC];
	_ =	sdelay $0x3  }
0x94: {  	_ =	strace s3  }
0x95: {  	s3 =	sld [smem:$0x3FFD];
	_ =	sdelay $0x3  }
0x96: {  	_ =	strace s3  }
0x97: {  	_ =	strace $0x8FFFFFFF  }
0x98: {  	s19 =	sld [smem:$0x3FDB];
	_ =	sdelay $0x1  }
0x99: {  	s4 =	simm.s32 $_scs_section_size  }
0x9a: {  	s5 =	simm.s32 $_size__tile_overlayer_lowered;
	s6 =	simm.s32 $_tile_overlayer_lowered  }
0x9b: {  	s22 =	simm.s32 $0x1BFF;
	s21 =	sshll.u32 s6, $0x1;
	s3 =	sadd.s32 s4, s19  }
0x9c: {  	s7 =	simm.s32 $0x0;
	s20 =	sshll.u32 s5, $0x1;
	s5 =	sadd.s32 s21, s3  }
0x9d: {  	[timem:s7], [sflag:s22] =	dma.local [hbm:s5], s20  }
0x9e: {  	_ =	swait.ge [sflag:s22], s20  }
0x9f: {  	s4 =	ssub.s32 $0x0, s20;
	[sflag:s22] =	ssyncset.done $0x0  }
0xa0: {  	[sflag:s22] =	ssyncadd.s32 s4;
	_ =	sdelay $0x1  }
0xa1: {  	s23 =	simm.s32 $0x1B8B  }
0xa2: {  	_ =	swait.ge [sflag:s23], $0x1  }
0xa3: {  	[sflag:s23] =	ssyncset.done $0x0  }
0xa4: {  	s25 =	simm.s32 $0x1B8E;
	s24 =	sld [smem:$0x3FFE];
	[sflag:s23] =	ssyncadd.s32 $0xFFFFFFFF  }
0xa5: {  	s26 =	simm.s32 $execute0_lowered;
	[smem:$0x3FD2] =	sst s25  }
0xa6: {  	s5 =	sshll.u32 s26, $0x1;
	_ =	strace $0x80000046;
	[dreg:$0x1] =	wrdreg $0xFFFFFFFF  }
0xa7: {  	s28 =	simm.s32 $_size_execute0_lowered;
	s3 =	sadd.s32 s3, s5;
	[dreg:$0x0] =	wrdreg $0x0  }
0xa8: {  	s5 =	sshll.u32 s28, $0x1;
	[dreg:$0x2] =	wrdreg s3  }
0xa9: {  	[dreg:$0x3] =	wrdreg s5  }
0xaa: {  	[dreg:$0x4] =	wrdreg $0xC0  }
0xab: {  	_ =	task [dreg:s7], $0x5FFFF  }
0xac: {  	[dreg:$0x1] =	wrdreg $0xFFFFFFFF  }
0xad: {  	[dreg:$0x0] =	wrdreg $0x60  }
0xae: {  	[dreg:$0x2] =	wrdreg s2  }
0xaf: {  	[dreg:$0x3] =	wrdreg s24  }
0xb0: {  	[dreg:$0x4] =	wrdreg $0x82000  }
0xb1: {  	[dreg:$0x5] =	wrdreg $0x9  }
0xb2: {  	_ =	task.clear_ibuf [dreg:s7], $0x6FFFF;
	_ =	strace $0x90000046  }
0xb3: {  	s29 =	simm.s32 $0x9;
	_ =	strace $0x80000048  }
0xb4: {  	_ =	swait.ge [sflag:s29], $0x1  }
0xb5: {  	[sflag:s29] =	ssyncadd.s32 $0xFFFFFFFF  }
0xb6: {  	_ =	strace $0x90000048  }
0xb7: {  	_ =	sfence  }
0xb8: {  	s30 =	sld [smem:$0x0];
	_ =	sdelay $0x2  }
0xb9: {  	s31 =	sshll.u32 s1, $0xD;
	s1 =	sshrl.u32 s1, $0x2  }
0xba: {  	s3 =	sand.u32 $0x4000, s31;
	s1 =	sadd.s32 s1, s30  }
0xbb: {  	s0 =	sor.u32 s3, s0;
	s1 =	sshll.u32 s1, $0x11  }
0xbc: {  	s0 =	sor.u32 s1, s0  }
0xbd: {  	s0 =	sadd.s32 $0x8F2B, s0  }
0xbe: {  	[sflag:s0] =	ssyncadd.remote.s32 $0x1  }
0xbf: {  	_ =	sfence.sel $0xFFFF  }
0xc0: {  	[dreg:$0x0] =	wrdreg $0xFFFFFFFF;
	(pc) =	sbr.abs _section_cstart, $3  }
0xc1: {  	[dreg:$0x1] =	wrdreg $0xFFFFFFFF  }
0xc2: {  	_ =	task.clear_ibuf [dreg:s7], $0x2FFFF;
	_ =	strace $0x9FFFFFFF  }
0xc3: {  	(tm) =	ssettm $0x7FFFFFFF  }
tec
execute0_lowered:
.L_overlay_start_1:
0x0: {  	(tag) =	ssettag $0x1  }
0x1: {  	s1 =	rddreg [dreg:$0x0]  }
0x2: {  	s7 =	rddreg [dreg:$0x1]  }
0x3: {  	s2 =	rddreg [dreg:$0x2]  }
0x4: {  	s4 =	simm.s32 $0x0;
	s5 =	srdreg.scid;
	s0 =	stileid.u32  }
0x5: {  	s28 =	simm.s32 $0x0;
	[smem:$0x7FF] =	sst s4;
	s12 =	smul.u32 $0x278, s0  }
0x6: {  	s10 =	sand.u32 $0x1, s5;
	s5 =	sadd.s32 $0x8400, s7;
	s11 =	smul.u32 $0x4F000, s0  }
0x7: {  	s6 =	sadd.s32 $0x1C400, s7;
	s17 =	sadd.s32 $0x1CC00, s7;
	s21 =	smul.u32 $0xA00, s0  }
0x8: {  	_ =	strace $0x80000047;
	s8 =	ssub.s32 $0x2, s10;
	s14 =	smul.u32 $0xA000, s10  }
0x9: {  	s20 =	smul.u32 $0x2780, s10;
	s9 =	sshrl.u32 s8, $0x1;
	s13 =	sadd.s32 $0x80, s12  }
0xa: {  	s23 =	sshrl.u32 s11, $0x2;
	s15 =	sadd.s32 $0x100, s12;
	s16 =	sadd.s32 $0x180, s12  }
0xb: {  	s19 =	sadd.s32 $0x200, s12;
	s18 =	ssub.s32 s8, s9;
	s24 =	sshll.u32 s13, $0x7  }
0xc: {  	s7 =	sadd.s32 s23, s2;
	s25 =	sshll.u32 s15, $0x7;
	s26 =	sshll.u32 s16, $0x7  }
0xd: {  	s29 =	sshll.u32 s19, $0x7;
	s22 =	sadd.s32 s12, s20;
	s13 =	sadd.s32 s20, s13  }
0xe: {  	s12 =	sadd.s32 s21, s14;
	s15 =	sadd.s32 s20, s15;
	s16 =	sadd.s32 s20, s16  }
0xf: {  	s19 =	sadd.s32 s20, s19;
	s20 =	simm.s32 $0x3;
	s21 =	simm.s32 $0x80  }
0x10: {  	s23 =	simm.s32 $0x4200;
	s8 =	sadd.s32 s24, s2;
	s9 =	sadd.s32 s25, s2  }
0x11: {  	s10 =	sadd.s32 s26, s2;
	s11 =	sadd.s32 s29, s2;
	s30 =	sshll.u32 s22, $0x4  }
0x12: {  	s31 =	sshll.u32 s13, $0x4;
	s15 =	sshll.u32 s15, $0x4;
	s16 =	sshll.u32 s16, $0x4  }
0x13: {  	s19 =	sshll.u32 s19, $0x4;
	s18 =	smax.u32 s18, $0x1;
	s22 =	simm.s32 $0x100  }
0x14: {  	s24 =	simm.s32 $0x1;
	s25 =	simm.s32 $0x2;
	s26 =	simm.s32 $0x180  }
0x15: {  	s13 =	sadd.s32 s17, s30;
	s14 =	sadd.s32 s17, s31;
	s15 =	sadd.s32 s17, s15  }
0x16: {  	s16 =	sadd.s32 s17, s16;
	s17 =	sadd.s32 s17, s19;
	s19 =	simm.s32 $0x200  }
.LBB2_1:
0x17: {  	[tilespmem:s19], [sflag:$0x3] =	stream.linear.gather [hbm4b:s6+s4], $0x4000, $0x38;
	[tilespmem:$0x1BE00] =	vst v63  }
0x18: {  	_ =	swait.ge [sflag:s20], $0x4000  }
0x19: {  	[sflag:s20] =	ssyncset.done $0x0  }
0x1a: {  	[sflag:s20] =	ssyncadd.s32 $0xFFFFC000  }
0x1b: {  	[spmem:s7] =	stream.linear.scatter [tilespmem:s19], [sflag:$0x3], $0x4000, $0x38;
	[tilespmem:$0x1BE00] =	vst v63  }
0x1c: {  	_ =	swait.ge [sflag:s20], $0x4000  }
0x1d: {  	[sflag:s20] =	ssyncset.done $0x0  }
0x1e: {  	[sflag:s20] =	ssyncadd.s32 $0xFFFFC000  }
0x1f: {  	[spmem:s8] =	stream.linear.scatter [tilespmem:s19], [sflag:$0x3], $0x4000, $0x38;
	[tilespmem:$0x1BE00] =	vst v63  }
0x20: {  	_ =	swait.ge [sflag:s20], $0x4000  }
0x21: {  	[sflag:s20] =	ssyncset.done $0x0  }
0x22: {  	[sflag:s20] =	ssyncadd.s32 $0xFFFFC000  }
0x23: {  	[spmem:s9] =	stream.linear.scatter [tilespmem:s19], [sflag:$0x3], $0x4000, $0x38;
	[tilespmem:$0x1BE00] =	vst v63  }
0x24: {  	_ =	swait.ge [sflag:s20], $0x4000  }
0x25: {  	[sflag:s20] =	ssyncset.done $0x0  }
0x26: {  	[sflag:s20] =	ssyncadd.s32 $0xFFFFC000  }
0x27: {  	[spmem:s10] =	stream.linear.scatter [tilespmem:s19], [sflag:$0x3], $0x4000, $0x38;
	[tilespmem:$0x1BE00] =	vst v63  }
0x28: {  	_ =	swait.ge [sflag:s20], $0x4000  }
0x29: {  	[sflag:s20] =	ssyncset.done $0x0  }
0x2a: {  	[sflag:s20] =	ssyncadd.s32 $0xFFFFC000  }
0x2b: {  	[spmem:s11] =	stream.linear.scatter [tilespmem:s19], [sflag:$0x3], $0x3C00, $0x38;
	[tilespmem:$0x1BE00] =	vst v63  }
0x2c: {  	_ =	swait.ge [sflag:s20], $0x3C00  }
0x2d: {  	s29 =	sadd.s32 $0x0, s12;
	s30 =	sand.u32 $0x40, s4;
	[sflag:s20] =	ssyncset.done $0x0  }
0x2e: {  	s29 =	sand.u32 $0x3FF80, s29;
	s30 =	sadd.s32 s5, s30;
	[sflag:s20] =	ssyncadd.s32 $0xFFFFC400  }
0x2f: {  	s29 =	sadd.s32 s29, s30;
	[bflag:$0x0] =	sbarrier.arrive $0xFFFF  }
0x30: {  	[tilespmem:s4], [sflag:$0x3] =	stream.linear.gather [hbm4b:s29+s4], $0x200, $0x38;
	[tilespmem:$0x1BE00] =	vst v63  }
0x31: {  	_ =	swait.ge [sflag:s20], $0x200  }
0x32: {  	[sflag:s20] =	ssyncset.done $0x0  }
0x33: {  	[sflag:s20] =	ssyncadd.s32 $0xFFFFFE00  }
0x34: {  	[tilespmem:s19], [sflag:$0x1] =	stream.indirect.gather [hbm4b:s1+s21], $0x80, s4, s21, $0xb8;
	[tilespmem:$0x1BE00] =	vst v63  }
0x35: {  	_ = 	snop  }
0x36: {  	[tilespmem:s23], [sflag:$0x2] =	stream.indirect.gather [hbm4b:s1+s21], $0x80, s22, s21, $0xb8;
	[tilespmem:$0x1BE00] =	vst v63  }
0x37: {  	_ =	swait.ge [sflag:s24], $0x4000  }
0x38: {  	[sflag:s24] =	ssyncset.done $0x0  }
0x39: {  	[sflag:s24] =	ssyncadd.s32 $0xFFFFC000  }
0x3a: {  	[spmem:s2] =	stream.indirect.scatter.add.f32 [tilespmem:s19], [sflag:$0x1], $0x80, s21, s21, $0xb8;
	[tilespmem:$0x1BE00] =	vst v63  }
0x3b: {  	_ =	swait.ge [sflag:s25], $0x4000  }
0x3c: {  	[sflag:s25] =	ssyncset.done $0x0  }
0x3d: {  	[sflag:s25] =	ssyncadd.s32 $0xFFFFC000  }
0x3e: {  	[spmem:s2] =	stream.indirect.scatter.add.f32 [tilespmem:s23], [sflag:$0x2], $0x80, s26, s21, $0xb8;
	[tilespmem:$0x1BE00] =	vst v63  }
0x3f: {  	_ =	swait.ge [sflag:s24], $0x4000  }
0x40: {  	[sflag:s24] =	ssyncset.done $0x0  }
0x41: {  	s31 =	sadd.s32 $0x40, s12;
	s30 =	simm.s32 $0x40;
	[sflag:s24] =	ssyncadd.s32 $0xFFFFC000  }
0x42: {  	s0 =	sand.u32 $0x40, s30;
	s30 =	sand.u32 $0x3FF80, s31;
	_ =	swait.ge [sflag:s25], $0x4000  }
0x43: {  	s31 =	sadd.s32 s5, s0;
	s29 =	simm.s32 $0x80;
	[sflag:s25] =	ssyncset.done $0x0  }
.LBB2_2:
0x44: {  	s0 =	sadd.s32 s30, s31  }
0x45: {  	[sflag:s25] =	ssyncadd.s32 $0xFFFFC000;
	s30 =	smov.u32 s29;
	s3 =	sadd.s32 $0x40, s29  }
0x46: {  	[tilespmem:s4], [sflag:$0x3] =	stream.linear.gather [hbm4b:s0+s4], $0x200, $0x38;
	[tilespmem:$0x1BE00] =	vst v63  }
0x47: {  	p0 =	sne.s32 s29, $0x9C0;
	_ =	swait.ge [sflag:s20], $0x200  }
0x48: {  	[sflag:s20] =	ssyncset.done $0x0  }
0x49: {  	[sflag:s20] =	ssyncadd.s32 $0xFFFFFE00  }
0x4a: {  	[tilespmem:s19], [sflag:$0x1] =	stream.indirect.gather [hbm4b:s1+s21], $0x80, s4, s21, $0xb8;
	[tilespmem:$0x1BE00] =	vst v63  }
0x4b: {  	_ = 	snop  }
0x4c: {  	[tilespmem:s23], [sflag:$0x2] =	stream.indirect.gather [hbm4b:s1+s21], $0x80, s22, s21, $0xb8;
	[tilespmem:$0x1BE00] =	vst v63  }
0x4d: {  	_ =	swait.ge [sflag:s24], $0x4000  }
0x4e: {  	[sflag:s24] =	ssyncset.done $0x0  }
0x4f: {  	[sflag:s24] =	ssyncadd.s32 $0xFFFFC000  }
0x50: {  	[spmem:s2] =	stream.indirect.scatter.add.f32 [tilespmem:s19], [sflag:$0x1], $0x80, s21, s21, $0xb8;
	[tilespmem:$0x1BE00] =	vst v63  }
0x51: {  	_ =	swait.ge [sflag:s25], $0x4000  }
0x52: {  	[sflag:s25] =	ssyncset.done $0x0  }
0x53: {  	[sflag:s25] =	ssyncadd.s32 $0xFFFFC000  }
0x54: {  	[spmem:s2] =	stream.indirect.scatter.add.f32 [tilespmem:s23], [sflag:$0x2], $0x80, s26, s21, $0xb8;
	[tilespmem:$0x1BE00] =	vst v63  }
.Ltmp0:
0x55: {  	_ =	swait.ge [sflag:s24], $0x4000;
	(pc) =	sbr.rel @p0 .LBB2_2-.Ltmp0, $4  }
0x56: {  	[sflag:s24] =	ssyncset.done $0x0  }
0x57: {  	s0 =	sadd.s32 s30, s12;
	[sflag:s24] =	ssyncadd.s32 $0xFFFFC000  }
0x58: {  	s29 =	sand.u32 $0x40, s30;
	s30 =	sand.u32 $0x3FF80, s0;
	_ =	swait.ge [sflag:s25], $0x4000  }
0x59: {  	s31 =	sadd.s32 s5, s29;
	s29 =	smov.u32 s3;
	[sflag:s25] =	ssyncset.done $0x0  }
0x5a: {  	s0 =	sadd.s32 s30, s31;
	[sflag:s25] =	ssyncadd.s32 $0xFFFFC000  }
0x5b: {  	[tilespmem:s4], [sflag:$0x3] =	stream.linear.gather [hbm4b:s0+s4], $0x200, $0x38;
	[tilespmem:$0x1BE00] =	vst v63  }
0x5c: {  	_ =	swait.ge [sflag:s20], $0x200  }
0x5d: {  	[sflag:s20] =	ssyncset.done $0x0  }
0x5e: {  	[sflag:s20] =	ssyncadd.s32 $0xFFFFFE00  }
0x5f: {  	[tilespmem:s19], [sflag:$0x1] =	stream.indirect.gather [hbm4b:s1+s21], $0x80, s4, s21, $0xb8;
	[tilespmem:$0x1BE00] =	vst v63  }
0x60: {  	_ = 	snop  }
0x61: {  	[tilespmem:s23], [sflag:$0x2] =	stream.indirect.gather [hbm4b:s1+s21], $0x80, s22, s21, $0xb8;
	[tilespmem:$0x1BE00] =	vst v63  }
0x62: {  	_ =	swait.ge [sflag:s24], $0x4000  }
0x63: {  	[sflag:s24] =	ssyncset.done $0x0  }
0x64: {  	[sflag:s24] =	ssyncadd.s32 $0xFFFFC000  }
0x65: {  	[spmem:s2] =	stream.indirect.scatter.add.f32 [tilespmem:s19], [sflag:$0x1], $0x80, s21, s21, $0xb8;
	[tilespmem:$0x1BE00] =	vst v63  }
0x66: {  	_ =	swait.ge [sflag:s25], $0x4000  }
0x67: {  	[sflag:s25] =	ssyncset.done $0x0  }
0x68: {  	[sflag:s25] =	ssyncadd.s32 $0xFFFFC000  }
0x69: {  	[spmem:s2] =	stream.indirect.scatter.add.f32 [tilespmem:s23], [sflag:$0x2], $0x80, s26, s21, $0xb8;
	[tilespmem:$0x1BE00] =	vst v63  }
0x6a: {  	_ =	swait.ge [sflag:s24], $0x4000  }
0x6b: {  	[sflag:s24] =	ssyncset.done $0x0  }
0x6c: {  	[sflag:s24] =	ssyncadd.s32 $0xFFFFC000  }
0x6d: {  	_ =	swait.ge [sflag:s25], $0x4000  }
0x6e: {  	[sflag:s25] =	ssyncset.done $0x0  }
0x6f: {  	[sflag:s25] =	ssyncadd.s32 $0xFFFFC000  }
0x70: {  	[bflag:$0x0] =	sbarrier.arrive $0xFFFF  }
0x71: {  	[tilespmem:s19], [sflag:$0x3] =	stream.linear.gather [spmem:s7], $0x4000, $0x38;
	[tilespmem:$0x1BE00] =	vst v63  }
0x72: {  	_ =	swait.ge [sflag:s20], $0x4000  }
0x73: {  	[sflag:s20] =	ssyncset.done $0x0  }
0x74: {  	[sflag:s20] =	ssyncadd.s32 $0xFFFFC000  }
0x75: {  	[hbm4b:s13+s4] =	stream.linear.scatter [tilespmem:s19], [sflag:$0x3], $0x4000, $0x38;
	[tilespmem:$0x1BE00] =	vst v63  }
0x76: {  	_ =	swait.ge [sflag:s20], $0x4000  }
0x77: {  	[sflag:s20] =	ssyncset.done $0x0  }
0x78: {  	[sflag:s20] =	ssyncadd.s32 $0xFFFFC000  }
0x79: {  	[tilespmem:s19], [sflag:$0x3] =	stream.linear.gather [spmem:s8], $0x4000, $0x38;
	[tilespmem:$0x1BE00] =	vst v63  }
0x7a: {  	_ =	swait.ge [sflag:s20], $0x4000  }
0x7b: {  	[sflag:s20] =	ssyncset.done $0x0  }
0x7c: {  	[sflag:s20] =	ssyncadd.s32 $0xFFFFC000  }
0x7d: {  	[hbm4b:s14+s4] =	stream.linear.scatter [tilespmem:s19], [sflag:$0x3], $0x4000, $0x38;
	[tilespmem:$0x1BE00] =	vst v63  }
0x7e: {  	_ =	swait.ge [sflag:s20], $0x4000  }
0x7f: {  	[sflag:s20] =	ssyncset.done $0x0  }
0x80: {  	[sflag:s20] =	ssyncadd.s32 $0xFFFFC000  }
0x81: {  	[tilespmem:s19], [sflag:$0x3] =	stream.linear.gather [spmem:s9], $0x4000, $0x38;
	[tilespmem:$0x1BE00] =	vst v63  }
0x82: {  	_ =	swait.ge [sflag:s20], $0x4000  }
0x83: {  	[sflag:s20] =	ssyncset.done $0x0  }
0x84: {  	[sflag:s20] =	ssyncadd.s32 $0xFFFFC000  }
0x85: {  	[hbm4b:s15+s4] =	stream.linear.scatter [tilespmem:s19], [sflag:$0x3], $0x4000, $0x38;
	[tilespmem:$0x1BE00] =	vst v63  }
0x86: {  	_ =	swait.ge [sflag:s20], $0x4000  }
0x87: {  	[sflag:s20] =	ssyncset.done $0x0  }
0x88: {  	[sflag:s20] =	ssyncadd.s32 $0xFFFFC000  }
0x89: {  	[tilespmem:s19], [sflag:$0x3] =	stream.linear.gather [spmem:s10], $0x4000, $0x38;
	[tilespmem:$0x1BE00] =	vst v63  }
0x8a: {  	_ =	swait.ge [sflag:s20], $0x4000  }
0x8b: {  	[sflag:s20] =	ssyncset.done $0x0  }
0x8c: {  	[sflag:s20] =	ssyncadd.s32 $0xFFFFC000  }
0x8d: {  	[hbm4b:s16+s4] =	stream.linear.scatter [tilespmem:s19], [sflag:$0x3], $0x4000, $0x38;
	[tilespmem:$0x1BE00] =	vst v63  }
0x8e: {  	_ =	swait.ge [sflag:s20], $0x4000  }
0x8f: {  	[sflag:s20] =	ssyncset.done $0x0  }
0x90: {  	[sflag:s20] =	ssyncadd.s32 $0xFFFFC000  }
0x91: {  	[tilespmem:s19], [sflag:$0x3] =	stream.linear.gather [spmem:s11], $0x3C00, $0x38;
	[tilespmem:$0x1BE00] =	vst v63  }
0x92: {  	s28 =	sadd.s32 $0x1, s28;
	_ =	swait.ge [sflag:s20], $0x3C00  }
0x93: {  	p0 =	sne.s32 s28, s18;
	[sflag:s20] =	ssyncset.done $0x0  }
.Ltmp1:
0x94: {  	[sflag:s20] =	ssyncadd.s32 $0xFFFFC400;
	(pc) =	sbr.rel @p0 .LBB2_1-.Ltmp1, $4  }
0x95: {  	[hbm4b:s17+s4] =	stream.linear.scatter [tilespmem:s19], [sflag:$0x3], $0x3C00, $0x38;
	[tilespmem:$0x1BE00] =	vst v63  }
0x96: {  	_ =	swait.ge [sflag:s20], $0x3C00  }
0x97: {  	[sflag:s20] =	ssyncset.done $0x0  }
0x98: {  	[sflag:s20] =	ssyncadd.s32 $0xFFFFC400  }
0x99: {  	_ =	sfence.sel $0x180000  }
0x9a: {  	[bflag:$0x0] =	sbarrier.arrive $0xFFFF  }
0x9b: {  	_ =	strace $0x90000047  }
0x9c: {  	s0 =	stileid.u32;
	[bflag:$0x2] =	sbarrier.arrive $0xFFFF  }
0x9d: {  	p0 =	sne.s32 s0, $0x0;
	s0 =	rddreg [dreg:$0x3]  }
0x9e: {  	s0 =	sadd.s32 @!p0 $0x100000, s0  }
0x9f: {  	[sflag:s0] =	ssyncadd.tile.s32 @!p0 $0x1;
	_ =	shalt  }
.Lfunc_end2:
_tile_overlayer_lowered:
.L_overlay_start_2:
0xa0: {  	(tag) =	ssettag $0x2  }
0xa1: {  	s0 =	rddreg [dreg:$0x0];
	s2 =	stileid.u32  }
0xa2: {  	s1 =	rddreg [dreg:$0x1];
	p0 =	sne.s32 s2, $0x0  }
0xa3: {  	s3 =	rddreg [dreg:$0x2];
	[bflag:$0x3] =	sbarrier.arrive $0xFFFF;
	s2 =	simm.s32 @!p0 $0x1C03  }
0xa4: {  	[timem:s3], [sflag:s2] =	dma.local @!p0 [hbm:s0], s1  }
0xa5: {  	s0 =	simm.s32 @!p0 $0x3  }
0xa6: {  	_ =	swait.ge @!p0 [sflag:s0], s1  }
0xa7: {  	s1 =	ssub.s32 @!p0 $0x0, s1;
	[sflag:s0] =	ssyncset.done @!p0 $0x0  }
0xa8: {  	[sflag:s0] =	ssyncadd.s32 @!p0 s1  }
0xa9: {  	[bflag:$0x3] =	sbarrier.arrive $0xFFFF  }
0xaa: {  	_ =	shalt  }

</sc_bundles>
